<compile_context>
chip_gen: v7x
topology: tpu7x:2x2x1
jax: 0.10.2.dev20260603
libtpu: 0.0.44.dev20260713+nightly
codegen_flags: <defaults>
</compile_context>

<pallas_src>
import functools

import jax
import jax.numpy as jnp
from jax import lax
from jax.experimental import pallas as pl
from jax.experimental.pallas import tpu as pltpu
from jax.experimental.pallas import tpu_sc as plsc

N = 5000
C = 201
NCLS = 200
C_PAD = 256
N_PAD = 5120
TOPK = 100
K_PAD = 112
NEG = -1e30
NMS_THRESH = 0.5
TI = 640
TJ = 1280
RB = 400


def _score_kernel(logits_ref, score_ref, label_ref):
    l = logits_ref[...]
    cls = lax.broadcasted_iota(jnp.int32, l.shape, 1)
    m_all = jnp.max(l, axis=1, keepdims=True)
    z = jnp.sum(jnp.exp(l - m_all), axis=1, keepdims=True)
    lm = jnp.where(cls < NCLS, l, NEG)
    m200 = jnp.max(lm, axis=1, keepdims=True)
    score = jnp.exp(m200 - m_all) / z
    is_max = (lm == m200) & (cls < NCLS)
    label = jnp.min(jnp.where(is_max, cls, C_PAD), axis=1, keepdims=True)
    pidx = pl.program_id(1) * TJ + lax.broadcasted_iota(jnp.int32, (1, 1, TJ), 2)
    valid = pidx < N
    score_ref[...] = jnp.where(valid, score, NEG)
    label_ref[...] = jnp.where(valid, label, 0)


def _nms_kernel(c_row_ref, w_row_ref, s_row_ref, srow_ref, scol_ref):
    t = pl.program_id(1)
    i0 = t * TI
    ci = c_row_ref[:, :, pl.ds(i0, TI)].reshape(1, TI, 1)
    wi = w_row_ref[:, :, pl.ds(i0, TI)].reshape(1, TI, 1)
    si = s_row_ref[:, :, pl.ds(i0, TI)].reshape(1, TI, 1)
    st_i = ci - wi / 2.0
    en_i = ci + wi / 2.0
    ln_i = jnp.maximum(en_i - st_i, 0.0)
    ig = i0 + lax.broadcasted_iota(jnp.int32, (1, TI, 1), 1)

    @pl.when(t == 0)
    def _():
        scol_ref[...] = jnp.zeros((1, 1, N_PAD), jnp.float32)

    def jstep(j, supp):
        cj = c_row_ref[:, :, pl.ds(j * TI, TI)]
        wj = w_row_ref[:, :, pl.ds(j * TI, TI)]
        sj = s_row_ref[:, :, pl.ds(j * TI, TI)]
        st_j = cj - wj / 2.0
        en_j = cj + wj / 2.0
        ln_j = jnp.maximum(en_j - st_j, 0.0)
        jg = j * TI + lax.broadcasted_iota(jnp.int32, (1, 1, TI), 2)
        inter = jnp.maximum(0.0, jnp.minimum(en_i, en_j) - jnp.maximum(st_i, st_j))
        union = (ln_i + ln_j) - inter
        iou = inter / jnp.maximum(union, 1e-8)
        hit = iou > NMS_THRESH
        dom = (sj > si) | ((sj == si) & (jg < ig))
        rowhit = hit & dom
        colhit = hit & (~dom) & (ig != jg)
        colred = jnp.max(jnp.where(colhit, 1.0, 0.0), axis=1, keepdims=True)
        scol_ref[:, :, pl.ds(j * TI, TI)] = jnp.maximum(
            scol_ref[:, :, pl.ds(j * TI, TI)], colred)
        return jnp.maximum(supp, jnp.max(jnp.where(rowhit, 1.0, 0.0),
                                         axis=2, keepdims=True))

    supp = lax.fori_loop(0, t + 1, jstep,
                         jnp.zeros((1, TI, 1), jnp.float32))
    srow_ref[...] = supp.reshape(1, 1, TI)


def _pack_kernel(srow_ref, scol_ref, sb_ref, lb_ref, cb_ref, wb_ref, dummy_ref,
                 out_hbm, scratch, sem):
    b = pl.program_id(0)
    supp = jnp.maximum(srow_ref[...], scol_ref[...])
    key = sb_ref[...] + jnp.where(supp > 0.0, 0, 2 ** 30)
    pidx = lax.broadcasted_iota(jnp.int32, (1, 1, N_PAD), 2)
    key = jnp.where(pidx < N, key, -2 ** 31)
    scratch[pl.ds(0, N_PAD)] = key.reshape(N_PAD)
    for k, r in enumerate((sb_ref, lb_ref, cb_ref, wb_ref)):
        scratch[pl.ds((k + 1) * N_PAD, N_PAD)] = r[...].reshape(N_PAD)
    cp = pltpu.make_async_copy(
        scratch, out_hbm.at[pl.ds(b * 5 * N_PAD, 5 * N_PAD)], sem)
    cp.start()
    cp.wait()


def _pack(srow, scol, sb, lb, cb, wb):
    spec = pl.BlockSpec((1, 1, N_PAD), lambda b: (b, 0, 0))
    dummy = pltpu.with_memory_space_constraint(
        jnp.zeros((2 * 5 * N_PAD,), jnp.int32), pltpu.MemorySpace.HBM)
    return pl.pallas_call(
        _pack_kernel,
        grid=(2,),
        in_specs=[spec] * 6 + [pl.BlockSpec(memory_space=pl.MemorySpace.ANY)],
        out_specs=pl.BlockSpec(memory_space=pl.MemorySpace.ANY),
        out_shape=jax.ShapeDtypeStruct((2 * 5 * N_PAD,), jnp.int32),
        scratch_shapes=[pltpu.VMEM((5 * N_PAD,), jnp.int32),
                        pltpu.SemaphoreType.DMA],
        input_output_aliases={6: 0},
    )(srow, scol, sb, lb, cb, wb, dummy)


NGRP = N_PAD // 256


@functools.cache
def _make_sc_select():
    mesh = plsc.VectorSubcoreMesh(core_axis_name="c", subcore_axis_name="s")

    @functools.partial(
        pl.kernel,
        out_type=jax.ShapeDtypeStruct((2 * 4 * K_PAD,), jnp.int32),
        mesh=mesh,
        compiler_params=pltpu.CompilerParams(needs_layout_passes=False,
                                             use_tc_tiling_on_sc=True),
        scratch_types=[
            pltpu.VMEM((N_PAD,), jnp.int32),
            pltpu.VMEM((N_PAD,), jnp.int32),
            pltpu.VMEM((N_PAD,), jnp.int32),
            pltpu.VMEM((N_PAD,), jnp.int32),
            pltpu.VMEM((N_PAD,), jnp.int32),
            pltpu.VMEM((4 * K_PAD,), jnp.int32),
            pltpu.VMEM((16 * NGRP,), jnp.int32),
            pltpu.VMEM((16 * NGRP,), jnp.int32),
            pltpu.VMEM((16,), jnp.int32),
            pltpu.VMEM((16,), jnp.int32),
        ],
    )
    def sc_select(in_hbm, out_hbm,
                  key_v, sb_v, lb_v, cb_v, wb_v, out_v,
                  glmax_v, glchunk_v, red_k_v, red_i_v):
        cid = lax.axis_index("c")
        sid = lax.axis_index("s")

        @pl.when(sid == 0)
        def _():
            b = cid
            for k, dst in enumerate((key_v, sb_v, lb_v, cb_v, wb_v)):
                pltpu.sync_copy(in_hbm.at[pl.ds((b * 5 + k) * N_PAD, N_PAD)], dst)
            lane = lax.iota(jnp.int32, 16)
            for g in range(4 * K_PAD // 16):
                out_v[pl.ds(g * 16, 16)] = jnp.zeros((16,), jnp.int32)

            def build_group(g, carry):
                gm = jnp.full((16,), -2 ** 31, jnp.int32)
                gc = jnp.zeros((16,), jnp.int32)
                for c in range(16):
                    v = key_v[pl.ds((g * 16 + c) * 16, 16)]
                    upd = v > gm
                    gm = jnp.where(upd, v, gm)
                    gc = jnp.where(upd, g * 16 + c, gc)
                glmax_v[pl.ds(g * 16, 16)] = gm
                glchunk_v[pl.ds(g * 16, 16)] = gc
                return carry

            lax.fori_loop(0, NGRP, build_group, 0)

            def pick(t, carry):
                def gscan(g, mi_pair):
                    mv, mi = mi_pair
                    gm = glmax_v[pl.ds(g * 16, 16)]
                    gc = glchunk_v[pl.ds(g * 16, 16)]
                    idx = gc * 16 + lane
                    upd = gm > mv
                    return (jnp.where(upd, gm, mv), jnp.where(upd, idx, mi))

                mv, mi = lax.fori_loop(
                    0, NGRP, gscan,
                    (jnp.full((16,), -2 ** 31, jnp.int32), lane))
                for sh in (8, 4, 2, 1):
                    red_k_v[...] = mv
                    red_i_v[...] = mi
                    perm = lane ^ sh
                    k2 = plsc.load_gather(red_k_v, [perm])
                    i2 = plsc.load_gather(red_i_v, [perm])
                    better = (k2 > mv) | ((k2 == mv) & (i2 < mi))
                    mv = jnp.where(better, k2, mv)
                    mi = jnp.where(better, i2, mi)
                widx = mi[0]
                tmask = lane == 0
                plsc.store_scatter(key_v, [mi],
                                   jnp.full((16,), -2 ** 31, jnp.int32),
                                   mask=tmask)
                gstar = widx // 256
                gm = jnp.full((16,), -2 ** 31, jnp.int32)
                gc = jnp.zeros((16,), jnp.int32)
                for c in range(16):
                    v = key_v[pl.ds(gstar * 256 + c * 16, 16)]
                    upd = v > gm
                    gm = jnp.where(upd, v, gm)
                    gc = jnp.where(upd, gstar * 16 + c, gc)
                glmax_v[pl.ds(gstar * 16, 16)] = gm
                glchunk_v[pl.ds(gstar * 16, 16)] = gc
                tpos = jnp.full((16,), t, jnp.int32)
                for k, src in enumerate((sb_v, lb_v, cb_v, wb_v)):
                    plsc.store_scatter(out_v, [k * K_PAD + tpos],
                                       plsc.load_gather(src, [mi]), mask=tmask)
                return carry

            lax.fori_loop(0, TOPK, pick, 0)
            pltpu.sync_copy(out_v, out_hbm.at[pl.ds(b * 4 * K_PAD, 4 * K_PAD)])

    return sc_select


C_PAD8 = 208


def _scores_labels(pred_logits):
    lt = jnp.pad(jnp.transpose(pred_logits, (0, 2, 1)),
                 ((0, 0), (0, C_PAD8 - C), (0, N_PAD - N)),
                 constant_values=NEG)
    score_row, label_row = pl.pallas_call(
        _score_kernel,
        grid=(2, N_PAD // TJ),
        in_specs=[pl.BlockSpec((1, C_PAD8, TJ), lambda b, j: (b, 0, j))],
        out_specs=[pl.BlockSpec((1, 1, TJ), lambda b, j: (b, 0, j)),
                   pl.BlockSpec((1, 1, TJ), lambda b, j: (b, 0, j))],
        out_shape=[jax.ShapeDtypeStruct((2, 1, N_PAD), jnp.float32),
                   jax.ShapeDtypeStruct((2, 1, N_PAD), jnp.int32)],
    )(lt)
    return score_row, label_row


def _nms_supp(c_row, w_row, s_row):
    rspec = pl.BlockSpec((1, 1, N_PAD), lambda b, i: (b, 0, 0))
    return pl.pallas_call(
        _nms_kernel,
        grid=(2, N_PAD // TI),
        in_specs=[rspec, rspec, rspec],
        out_specs=[pl.BlockSpec((1, 1, TI), lambda b, i: (b, 0, i)),
                   pl.BlockSpec((1, 1, N_PAD), lambda b, i: (b, 0, 0))],
        out_shape=[jax.ShapeDtypeStruct((2, 1, N_PAD), jnp.float32),
                   jax.ShapeDtypeStruct((2, 1, N_PAD), jnp.float32)],
    )(c_row, w_row, s_row)


def kernel(pred_logits, pred_segments, target_lengths):
    score_row, label_row = _scores_labels(pred_logits)
    seg = pred_segments * target_lengths[:, None, :]
    c = seg[..., 0]
    w = seg[..., 1]
    padr = lambda x: jnp.pad(x, ((0, 0), (0, N_PAD - N))).reshape(2, 1, N_PAD)
    c_row = padr(c)
    w_row = padr(w)
    srow, scol = _nms_supp(c_row, w_row, score_row)
    bits = lambda x: lax.bitcast_convert_type(x, jnp.int32)
    packed = _pack(srow, scol, bits(score_row), label_row, bits(c_row),
                   bits(w_row))
    out = _make_sc_select()(packed)
    out = out.reshape(2, 4, K_PAD)[:, :, :TOPK]
    f32 = lambda x: lax.bitcast_convert_type(x, jnp.float32)
    out_scores = f32(out[:, 0])
    out_labels = out[:, 1]
    out_segments = jnp.stack([f32(out[:, 2]), f32(out[:, 3])], axis=-1)
    return out_scores, out_labels, out_segments

# --- scband reference (transcript-rebuilt; emitter-appended) ---
"""Pipeline reference for scband-post-process-matched-78056735638072 (READ-ONLY COPY).

The authoritative reference and input builder live on the scoring server;
editing this copy changes nothing except your own understanding.
"""

import jax, jax.numpy as jnp
import numpy as np

NMS_THRESH = 0.5
TOPK = 100


def setup_inputs(seed: int = 0) -> dict:
    key = jax.random.key(seed)
    k1, k2, k3 = jax.random.split(key, 3)
    pred_logits = jax.random.normal(k1, (2, 5000, 201), dtype=jnp.float32)
    pred_segments = jax.random.uniform(k2, (2, 5000, 2), dtype=jnp.float32)
    target_lengths = jax.random.uniform(k3, (2, 2), dtype=jnp.float32) * 100.0 + 1.0
    return {"pred_logits": pred_logits, "pred_segments": pred_segments, "target_lengths": target_lengths}


def _fast_nms_1d(scores, segs, thresh, k):
    # Sort by descending score (greedy NMS order)
    order = jnp.argsort(-scores)
    s = scores[order]
    sg = segs[order]
    centers = sg[:, 0]
    widths = sg[:, 1]
    starts = centers - widths / 2.0
    ends = centers + widths / 2.0
    # Pairwise 1D IoU matrix: O(N^2) compute (compute-bound core)
    inter = jnp.maximum(0.0, jnp.minimum(ends[:, None], ends[None, :]) - jnp.maximum(starts[:, None], starts[None, :]))
    lens = jnp.maximum(ends - starts, 0.0)
    union = lens[:, None] + lens[None, :] - inter
    iou = inter / jnp.maximum(union, 1e-8)
    # Fast-NMS: suppress i if any higher-scoring j (j < i in sorted order) overlaps > thresh
    upper = jnp.triu(iou, k=1)
    max_prev = jnp.max(upper, axis=0)
    keep = max_prev <= thresh
    masked = jnp.where(keep, s, -1e9)
    _, idx = jax.lax.top_k(masked, k)
    return order[idx], s[idx], sg[idx]


def reference(pred_logits, pred_segments, target_lengths):
    # softmax over classes, drop background (last class), take max prob + label
    prob = jax.nn.softmax(pred_logits, axis=-1)
    scores = jnp.max(prob[..., :-1], axis=-1)
    labels = jnp.argmax(prob[..., :-1], axis=-1)
    # scale normalized segments by per-sample target lengths
    segments = pred_segments * target_lengths[:, None, :]
    out_scores = []
    out_labels = []
    out_segments = []
    B = pred_logits.shape[0]
    for i in range(B):
        kidx, s_k, sg_k = _fast_nms_1d(scores[i], segments[i], NMS_THRESH, TOPK)
        out_scores.append(s_k)
        out_labels.append(labels[i][kidx])
        out_segments.append(sg_k)
    return jnp.stack(out_scores), jnp.stack(out_labels), jnp.stack(out_segments)

if __name__ == "__main__":
    import jax
    _d = setup_inputs()
    print(jax.jit(kernel)(*tuple(_d.values())))

</pallas_src>

<mosaic_0001>
#map = affine_map<(d0, d1) -> (0)>
module attributes {stable_mosaic.version = 14 : i64} {
  func.func @sc_select(%arg0: i32, %arg1: i32, %arg2: memref<51200xi32, #tpu.memory_space<hbm>>, %arg3: memref<896xi32, #tpu.memory_space<hbm>>, %arg4: memref<5120xi32, #tpu.memory_space<vmem>>, %arg5: memref<5120xi32, #tpu.memory_space<vmem>>, %arg6: memref<5120xi32, #tpu.memory_space<vmem>>, %arg7: memref<5120xi32, #tpu.memory_space<vmem>>, %arg8: memref<5120xi32, #tpu.memory_space<vmem>>, %arg9: memref<448xi32, #tpu.memory_space<vmem>>, %arg10: memref<320xi32, #tpu.memory_space<vmem>>, %arg11: memref<320xi32, #tpu.memory_space<vmem>>, %arg12: memref<16xi32, #tpu.memory_space<vmem>>, %arg13: memref<16xi32, #tpu.memory_space<vmem>>) attributes {dimension_semantics = [#tpu.dimension_semantics<core_parallel>, #tpu.dimension_semantics<subcore_parallel>], iteration_bounds = array<i64: 2, 16>, scalar_prefetch = 0 : i64, scratch_operands = 10 : i64, tpu.core_type = #tpu.core_type<sc_vector_subcore>, window_params = [{transform_indices = #map}, {transform_indices = #map}]} {
    %eq3A = arith.constant 0 : i32
    %eq3A_0 = arith.cmpi eq, %arg1, %eq3A : i32
    %convert_element_type3A = arith.extui %eq3A_0 : i1 to i32
    %cond3A = arith.constant 0 : i32
    %cond3A_1 = arith.cmpi ne, %convert_element_type3A, %cond3A : i32
    scf.if %cond3A_1 {
      %mul3A = arith.constant 5 : i32
      %mul3A_2 = arith.muli %arg0, %mul3A : i32
      %add3A = arith.constant 0 : i32
      %add3A_3 = arith.addi %mul3A_2, %add3A : i32
      %mul3A_4 = arith.constant 5120 : i32
      %mul3A_5 = arith.muli %add3A_3, %mul3A_4 : i32
      "tpu.region"() ({
        %run_scoped3A = tpu.sem_alloc : memref<!tpu.dma_semaphore, #tpu.memory_space<semaphore_mem>>
        %dma_start3A = tpu.memref_slice %arg2[%mul3A_5] : memref<51200xi32, #tpu.memory_space<hbm>> -> memref<5120xi32, #tpu.memory_space<hbm>>
        %dma_start3A_155 = tpu.memref_slice %arg2[%mul3A_5] : memref<51200xi32, #tpu.memory_space<hbm>> -> memref<5120xi32, #tpu.memory_space<hbm>>
        tpu.enqueue_dma source(%dma_start3A_155 : memref<5120xi32, #tpu.memory_space<hbm>>) target(%arg4 : memref<5120xi32, #tpu.memory_space<vmem>>) target_semaphore(%run_scoped3A : memref<!tpu.dma_semaphore, #tpu.memory_space<semaphore_mem>>)
        %dma_wait3A = tpu.memref_slice %arg2[%mul3A_5] : memref<51200xi32, #tpu.memory_space<hbm>> -> memref<5120xi32, #tpu.memory_space<hbm>>
        %dma_wait3A_156 = tpu.memref_slice %arg2[%mul3A_5] : memref<51200xi32, #tpu.memory_space<hbm>> -> memref<5120xi32, #tpu.memory_space<hbm>>
        tpu.wait_dma2 semaphore(%run_scoped3A : memref<!tpu.dma_semaphore, #tpu.memory_space<semaphore_mem>>) src(%dma_wait3A_156 : memref<5120xi32, #tpu.memory_space<hbm>>) dst(%arg4 : memref<5120xi32, #tpu.memory_space<vmem>>)
        tpu.yield
      }) : () -> ()
      %mul3A_6 = arith.constant 5 : i32
      %mul3A_7 = arith.muli %arg0, %mul3A_6 : i32
      %add3A_8 = arith.constant 1 : i32
      %add3A_9 = arith.addi %mul3A_7, %add3A_8 : i32
      %mul3A_10 = arith.constant 5120 : i32
      %mul3A_11 = arith.muli %add3A_9, %mul3A_10 : i32
      "tpu.region"() ({
        %run_scoped3A = tpu.sem_alloc : memref<!tpu.dma_semaphore, #tpu.memory_space<semaphore_mem>>
        %dma_start3A = tpu.memref_slice %arg2[%mul3A_11] : memref<51200xi32, #tpu.memory_space<hbm>> -> memref<5120xi32, #tpu.memory_space<hbm>>
        %dma_start3A_155 = tpu.memref_slice %arg2[%mul3A_11] : memref<51200xi32, #tpu.memory_space<hbm>> -> memref<5120xi32, #tpu.memory_space<hbm>>
        tpu.enqueue_dma source(%dma_start3A_155 : memref<5120xi32, #tpu.memory_space<hbm>>) target(%arg5 : memref<5120xi32, #tpu.memory_space<vmem>>) target_semaphore(%run_scoped3A : memref<!tpu.dma_semaphore, #tpu.memory_space<semaphore_mem>>)
        %dma_wait3A = tpu.memref_slice %arg2[%mul3A_11] : memref<51200xi32, #tpu.memory_space<hbm>> -> memref<5120xi32, #tpu.memory_space<hbm>>
        %dma_wait3A_156 = tpu.memref_slice %arg2[%mul3A_11] : memref<51200xi32, #tpu.memory_space<hbm>> -> memref<5120xi32, #tpu.memory_space<hbm>>
        tpu.wait_dma2 semaphore(%run_scoped3A : memref<!tpu.dma_semaphore, #tpu.memory_space<semaphore_mem>>) src(%dma_wait3A_156 : memref<5120xi32, #tpu.memory_space<hbm>>) dst(%arg5 : memref<5120xi32, #tpu.memory_space<vmem>>)
        tpu.yield
      }) : () -> ()
      %mul3A_12 = arith.constant 5 : i32
      %mul3A_13 = arith.muli %arg0, %mul3A_12 : i32
      %add3A_14 = arith.constant 2 : i32
      %add3A_15 = arith.addi %mul3A_13, %add3A_14 : i32
      %mul3A_16 = arith.constant 5120 : i32
      %mul3A_17 = arith.muli %add3A_15, %mul3A_16 : i32
      "tpu.region"() ({
        %run_scoped3A = tpu.sem_alloc : memref<!tpu.dma_semaphore, #tpu.memory_space<semaphore_mem>>
        %dma_start3A = tpu.memref_slice %arg2[%mul3A_17] : memref<51200xi32, #tpu.memory_space<hbm>> -> memref<5120xi32, #tpu.memory_space<hbm>>
        %dma_start3A_155 = tpu.memref_slice %arg2[%mul3A_17] : memref<51200xi32, #tpu.memory_space<hbm>> -> memref<5120xi32, #tpu.memory_space<hbm>>
        tpu.enqueue_dma source(%dma_start3A_155 : memref<5120xi32, #tpu.memory_space<hbm>>) target(%arg6 : memref<5120xi32, #tpu.memory_space<vmem>>) target_semaphore(%run_scoped3A : memref<!tpu.dma_semaphore, #tpu.memory_space<semaphore_mem>>)
        %dma_wait3A = tpu.memref_slice %arg2[%mul3A_17] : memref<51200xi32, #tpu.memory_space<hbm>> -> memref<5120xi32, #tpu.memory_space<hbm>>
        %dma_wait3A_156 = tpu.memref_slice %arg2[%mul3A_17] : memref<51200xi32, #tpu.memory_space<hbm>> -> memref<5120xi32, #tpu.memory_space<hbm>>
        tpu.wait_dma2 semaphore(%run_scoped3A : memref<!tpu.dma_semaphore, #tpu.memory_space<semaphore_mem>>) src(%dma_wait3A_156 : memref<5120xi32, #tpu.memory_space<hbm>>) dst(%arg6 : memref<5120xi32, #tpu.memory_space<vmem>>)
        tpu.yield
      }) : () -> ()
      %mul3A_18 = arith.constant 5 : i32
      %mul3A_19 = arith.muli %arg0, %mul3A_18 : i32
      %add3A_20 = arith.constant 3 : i32
      %add3A_21 = arith.addi %mul3A_19, %add3A_20 : i32
      %mul3A_22 = arith.constant 5120 : i32
      %mul3A_23 = arith.muli %add3A_21, %mul3A_22 : i32
      "tpu.region"() ({
        %run_scoped3A = tpu.sem_alloc : memref<!tpu.dma_semaphore, #tpu.memory_space<semaphore_mem>>
        %dma_start3A = tpu.memref_slice %arg2[%mul3A_23] : memref<51200xi32, #tpu.memory_space<hbm>> -> memref<5120xi32, #tpu.memory_space<hbm>>
        %dma_start3A_155 = tpu.memref_slice %arg2[%mul3A_23] : memref<51200xi32, #tpu.memory_space<hbm>> -> memref<5120xi32, #tpu.memory_space<hbm>>
        tpu.enqueue_dma source(%dma_start3A_155 : memref<5120xi32, #tpu.memory_space<hbm>>) target(%arg7 : memref<5120xi32, #tpu.memory_space<vmem>>) target_semaphore(%run_scoped3A : memref<!tpu.dma_semaphore, #tpu.memory_space<semaphore_mem>>)
        %dma_wait3A = tpu.memref_slice %arg2[%mul3A_23] : memref<51200xi32, #tpu.memory_space<hbm>> -> memref<5120xi32, #tpu.memory_space<hbm>>
        %dma_wait3A_156 = tpu.memref_slice %arg2[%mul3A_23] : memref<51200xi32, #tpu.memory_space<hbm>> -> memref<5120xi32, #tpu.memory_space<hbm>>
        tpu.wait_dma2 semaphore(%run_scoped3A : memref<!tpu.dma_semaphore, #tpu.memory_space<semaphore_mem>>) src(%dma_wait3A_156 : memref<5120xi32, #tpu.memory_space<hbm>>) dst(%arg7 : memref<5120xi32, #tpu.memory_space<vmem>>)
        tpu.yield
      }) : () -> ()
      %mul3A_24 = arith.constant 5 : i32
      %mul3A_25 = arith.muli %arg0, %mul3A_24 : i32
      %add3A_26 = arith.constant 4 : i32
      %add3A_27 = arith.addi %mul3A_25, %add3A_26 : i32
      %mul3A_28 = arith.constant 5120 : i32
      %mul3A_29 = arith.muli %add3A_27, %mul3A_28 : i32
      "tpu.region"() ({
        %run_scoped3A = tpu.sem_alloc : memref<!tpu.dma_semaphore, #tpu.memory_space<semaphore_mem>>
        %dma_start3A = tpu.memref_slice %arg2[%mul3A_29] : memref<51200xi32, #tpu.memory_space<hbm>> -> memref<5120xi32, #tpu.memory_space<hbm>>
        %dma_start3A_155 = tpu.memref_slice %arg2[%mul3A_29] : memref<51200xi32, #tpu.memory_space<hbm>> -> memref<5120xi32, #tpu.memory_space<hbm>>
        tpu.enqueue_dma source(%dma_start3A_155 : memref<5120xi32, #tpu.memory_space<hbm>>) target(%arg8 : memref<5120xi32, #tpu.memory_space<vmem>>) target_semaphore(%run_scoped3A : memref<!tpu.dma_semaphore, #tpu.memory_space<semaphore_mem>>)
        %dma_wait3A = tpu.memref_slice %arg2[%mul3A_29] : memref<51200xi32, #tpu.memory_space<hbm>> -> memref<5120xi32, #tpu.memory_space<hbm>>
        %dma_wait3A_156 = tpu.memref_slice %arg2[%mul3A_29] : memref<51200xi32, #tpu.memory_space<hbm>> -> memref<5120xi32, #tpu.memory_space<hbm>>
        tpu.wait_dma2 semaphore(%run_scoped3A : memref<!tpu.dma_semaphore, #tpu.memory_space<semaphore_mem>>) src(%dma_wait3A_156 : memref<5120xi32, #tpu.memory_space<hbm>>) dst(%arg8 : memref<5120xi32, #tpu.memory_space<vmem>>)
        tpu.yield
      }) : () -> ()
      %iota3A = tpu.iota {dimensions = array<i32: 0>} : vector<16xi32>
      %broadcast_in_dim3A = arith.constant 0 : i32
      %broadcast_in_dim3A_30 = vector.broadcast %broadcast_in_dim3A : i32 to vector<16xi32>
      %swap3A = arith.constant 0 : index
      %swap3A_31 = tpu.vector_load %arg9[%swap3A] {strides = array<i32>} : memref<448xi32, #tpu.memory_space<vmem>>, vector<16xi32>,
      tpu.vector_store %arg9[%swap3A], %broadcast_in_dim3A_30 {strides = array<i32>} : memref<448xi32, #tpu.memory_space<vmem>>, vector<16xi32>,
      %broadcast_in_dim3A_32 = arith.constant 0 : i32
      %broadcast_in_dim3A_33 = vector.broadcast %broadcast_in_dim3A_32 : i32 to vector<16xi32>
      %swap3A_34 = arith.constant 16 : index
      %swap3A_35 = tpu.vector_load %arg9[%swap3A_34] {strides = array<i32>} : memref<448xi32, #tpu.memory_space<vmem>>, vector<16xi32>,
      tpu.vector_store %arg9[%swap3A_34], %broadcast_in_dim3A_33 {strides = array<i32>} : memref<448xi32, #tpu.memory_space<vmem>>, vector<16xi32>,
      %broadcast_in_dim3A_36 = arith.constant 0 : i32
      %broadcast_in_dim3A_37 = vector.broadcast %broadcast_in_dim3A_36 : i32 to vector<16xi32>
      %swap3A_38 = arith.constant 32 : index
      %swap3A_39 = tpu.vector_load %arg9[%swap3A_38] {strides = array<i32>} : memref<448xi32, #tpu.memory_space<vmem>>, vector<16xi32>,
      tpu.vector_store %arg9[%swap3A_38], %broadcast_in_dim3A_37 {strides = array<i32>} : memref<448xi32, #tpu.memory_space<vmem>>, vector<16xi32>,
      %broadcast_in_dim3A_40 = arith.constant 0 : i32
      %broadcast_in_dim3A_41 = vector.broadcast %broadcast_in_dim3A_40 : i32 to vector<16xi32>
      %swap3A_42 = arith.constant 48 : index
      %swap3A_43 = tpu.vector_load %arg9[%swap3A_42] {strides = array<i32>} : memref<448xi32, #tpu.memory_space<vmem>>, vector<16xi32>,
      tpu.vector_store %arg9[%swap3A_42], %broadcast_in_dim3A_41 {strides = array<i32>} : memref<448xi32, #tpu.memory_space<vmem>>, vector<16xi32>,
      %broadcast_in_dim3A_44 = arith.constant 0 : i32
      %broadcast_in_dim3A_45 = vector.broadcast %broadcast_in_dim3A_44 : i32 to vector<16xi32>
      %swap3A_46 = arith.constant 64 : index
      %swap3A_47 = tpu.vector_load %arg9[%swap3A_46] {strides = array<i32>} : memref<448xi32, #tpu.memory_space<vmem>>, vector<16xi32>,
      tpu.vector_store %arg9[%swap3A_46], %broadcast_in_dim3A_45 {strides = array<i32>} : memref<448xi32, #tpu.memory_space<vmem>>, vector<16xi32>,
      %broadcast_in_dim3A_48 = arith.constant 0 : i32
      %broadcast_in_dim3A_49 = vector.broadcast %broadcast_in_dim3A_48 : i32 to vector<16xi32>
      %swap3A_50 = arith.constant 80 : index
      %swap3A_51 = tpu.vector_load %arg9[%swap3A_50] {strides = array<i32>} : memref<448xi32, #tpu.memory_space<vmem>>, vector<16xi32>,
      tpu.vector_store %arg9[%swap3A_50], %broadcast_in_dim3A_49 {strides = array<i32>} : memref<448xi32, #tpu.memory_space<vmem>>, vector<16xi32>,
      %broadcast_in_dim3A_52 = arith.constant 0 : i32
      %broadcast_in_dim3A_53 = vector.broadcast %broadcast_in_dim3A_52 : i32 to vector<16xi32>
      %swap3A_54 = arith.constant 96 : index
      %swap3A_55 = tpu.vector_load %arg9[%swap3A_54] {strides = array<i32>} : memref<448xi32, #tpu.memory_space<vmem>>, vector<16xi32>,
      tpu.vector_store %arg9[%swap3A_54], %broadcast_in_dim3A_53 {strides = array<i32>} : memref<448xi32, #tpu.memory_space<vmem>>, vector<16xi32>,
      %broadcast_in_dim3A_56 = arith.constant 0 : i32
      %broadcast_in_dim3A_57 = vector.broadcast %broadcast_in_dim3A_56 : i32 to vector<16xi32>
      %swap3A_58 = arith.constant 112 : index
      %swap3A_59 = tpu.vector_load %arg9[%swap3A_58] {strides = array<i32>} : memref<448xi32, #tpu.memory_space<vmem>>, vector<16xi32>,
      tpu.vector_store %arg9[%swap3A_58], %broadcast_in_dim3A_57 {strides = array<i32>} : memref<448xi32, #tpu.memory_space<vmem>>, vector<16xi32>,
      %broadcast_in_dim3A_60 = arith.constant 0 : i32
      %broadcast_in_dim3A_61 = vector.broadcast %broadcast_in_dim3A_60 : i32 to vector<16xi32>
      %swap3A_62 = arith.constant 128 : index
      %swap3A_63 = tpu.vector_load %arg9[%swap3A_62] {strides = array<i32>} : memref<448xi32, #tpu.memory_space<vmem>>, vector<16xi32>,
      tpu.vector_store %arg9[%swap3A_62], %broadcast_in_dim3A_61 {strides = array<i32>} : memref<448xi32, #tpu.memory_space<vmem>>, vector<16xi32>,
      %broadcast_in_dim3A_64 = arith.constant 0 : i32
      %broadcast_in_dim3A_65 = vector.broadcast %broadcast_in_dim3A_64 : i32 to vector<16xi32>
      %swap3A_66 = arith.constant 144 : index
      %swap3A_67 = tpu.vector_load %arg9[%swap3A_66] {strides = array<i32>} : memref<448xi32, #tpu.memory_space<vmem>>, vector<16xi32>,
      tpu.vector_store %arg9[%swap3A_66], %broadcast_in_dim3A_65 {strides = array<i32>} : memref<448xi32, #tpu.memory_space<vmem>>, vector<16xi32>,
      %broadcast_in_dim3A_68 = arith.constant 0 : i32
      %broadcast_in_dim3A_69 = vector.broadcast %broadcast_in_dim3A_68 : i32 to vector<16xi32>
      %swap3A_70 = arith.constant 160 : index
      %swap3A_71 = tpu.vector_load %arg9[%swap3A_70] {strides = array<i32>} : memref<448xi32, #tpu.memory_space<vmem>>, vector<16xi32>,
      tpu.vector_store %arg9[%swap3A_70], %broadcast_in_dim3A_69 {strides = array<i32>} : memref<448xi32, #tpu.memory_space<vmem>>, vector<16xi32>,
      %broadcast_in_dim3A_72 = arith.constant 0 : i32
      %broadcast_in_dim3A_73 = vector.broadcast %broadcast_in_dim3A_72 : i32 to vector<16xi32>
      %swap3A_74 = arith.constant 176 : index
      %swap3A_75 = tpu.vector_load %arg9[%swap3A_74] {strides = array<i32>} : memref<448xi32, #tpu.memory_space<vmem>>, vector<16xi32>,
      tpu.vector_store %arg9[%swap3A_74], %broadcast_in_dim3A_73 {strides = array<i32>} : memref<448xi32, #tpu.memory_space<vmem>>, vector<16xi32>,
      %broadcast_in_dim3A_76 = arith.constant 0 : i32
      %broadcast_in_dim3A_77 = vector.broadcast %broadcast_in_dim3A_76 : i32 to vector<16xi32>
      %swap3A_78 = arith.constant 192 : index
      %swap3A_79 = tpu.vector_load %arg9[%swap3A_78] {strides = array<i32>} : memref<448xi32, #tpu.memory_space<vmem>>, vector<16xi32>,
      tpu.vector_store %arg9[%swap3A_78], %broadcast_in_dim3A_77 {strides = array<i32>} : memref<448xi32, #tpu.memory_space<vmem>>, vector<16xi32>,
      %broadcast_in_dim3A_80 = arith.constant 0 : i32
      %broadcast_in_dim3A_81 = vector.broadcast %broadcast_in_dim3A_80 : i32 to vector<16xi32>
      %swap3A_82 = arith.constant 208 : index
      %swap3A_83 = tpu.vector_load %arg9[%swap3A_82] {strides = array<i32>} : memref<448xi32, #tpu.memory_space<vmem>>, vector<16xi32>,
      tpu.vector_store %arg9[%swap3A_82], %broadcast_in_dim3A_81 {strides = array<i32>} : memref<448xi32, #tpu.memory_space<vmem>>, vector<16xi32>,
      %broadcast_in_dim3A_84 = arith.constant 0 : i32
      %broadcast_in_dim3A_85 = vector.broadcast %broadcast_in_dim3A_84 : i32 to vector<16xi32>
      %swap3A_86 = arith.constant 224 : index
      %swap3A_87 = tpu.vector_load %arg9[%swap3A_86] {strides = array<i32>} : memref<448xi32, #tpu.memory_space<vmem>>, vector<16xi32>,
      tpu.vector_store %arg9[%swap3A_86], %broadcast_in_dim3A_85 {strides = array<i32>} : memref<448xi32, #tpu.memory_space<vmem>>, vector<16xi32>,
      %broadcast_in_dim3A_88 = arith.constant 0 : i32
      %broadcast_in_dim3A_89 = vector.broadcast %broadcast_in_dim3A_88 : i32 to vector<16xi32>
      %swap3A_90 = arith.constant 240 : index
      %swap3A_91 = tpu.vector_load %arg9[%swap3A_90] {strides = array<i32>} : memref<448xi32, #tpu.memory_space<vmem>>, vector<16xi32>,
      tpu.vector_store %arg9[%swap3A_90], %broadcast_in_dim3A_89 {strides = array<i32>} : memref<448xi32, #tpu.memory_space<vmem>>, vector<16xi32>,
      %broadcast_in_dim3A_92 = arith.constant 0 : i32
      %broadcast_in_dim3A_93 = vector.broadcast %broadcast_in_dim3A_92 : i32 to vector<16xi32>
      %swap3A_94 = arith.constant 256 : index
      %swap3A_95 = tpu.vector_load %arg9[%swap3A_94] {strides = array<i32>} : memref<448xi32, #tpu.memory_space<vmem>>, vector<16xi32>,
      tpu.vector_store %arg9[%swap3A_94], %broadcast_in_dim3A_93 {strides = array<i32>} : memref<448xi32, #tpu.memory_space<vmem>>, vector<16xi32>,
      %broadcast_in_dim3A_96 = arith.constant 0 : i32
      %broadcast_in_dim3A_97 = vector.broadcast %broadcast_in_dim3A_96 : i32 to vector<16xi32>
      %swap3A_98 = arith.constant 272 : index
      %swap3A_99 = tpu.vector_load %arg9[%swap3A_98] {strides = array<i32>} : memref<448xi32, #tpu.memory_space<vmem>>, vector<16xi32>,
      tpu.vector_store %arg9[%swap3A_98], %broadcast_in_dim3A_97 {strides = array<i32>} : memref<448xi32, #tpu.memory_space<vmem>>, vector<16xi32>,
      %broadcast_in_dim3A_100 = arith.constant 0 : i32
      %broadcast_in_dim3A_101 = vector.broadcast %broadcast_in_dim3A_100 : i32 to vector<16xi32>
      %swap3A_102 = arith.constant 288 : index
      %swap3A_103 = tpu.vector_load %arg9[%swap3A_102] {strides = array<i32>} : memref<448xi32, #tpu.memory_space<vmem>>, vector<16xi32>,
      tpu.vector_store %arg9[%swap3A_102], %broadcast_in_dim3A_101 {strides = array<i32>} : memref<448xi32, #tpu.memory_space<vmem>>, vector<16xi32>,
      %broadcast_in_dim3A_104 = arith.constant 0 : i32
      %broadcast_in_dim3A_105 = vector.broadcast %broadcast_in_dim3A_104 : i32 to vector<16xi32>
      %swap3A_106 = arith.constant 304 : index
      %swap3A_107 = tpu.vector_load %arg9[%swap3A_106] {strides = array<i32>} : memref<448xi32, #tpu.memory_space<vmem>>, vector<16xi32>,
      tpu.vector_store %arg9[%swap3A_106], %broadcast_in_dim3A_105 {strides = array<i32>} : memref<448xi32, #tpu.memory_space<vmem>>, vector<16xi32>,
      %broadcast_in_dim3A_108 = arith.constant 0 : i32
      %broadcast_in_dim3A_109 = vector.broadcast %broadcast_in_dim3A_108 : i32 to vector<16xi32>
      %swap3A_110 = arith.constant 320 : index
      %swap3A_111 = tpu.vector_load %arg9[%swap3A_110] {strides = array<i32>} : memref<448xi32, #tpu.memory_space<vmem>>, vector<16xi32>,
      tpu.vector_store %arg9[%swap3A_110], %broadcast_in_dim3A_109 {strides = array<i32>} : memref<448xi32, #tpu.memory_space<vmem>>, vector<16xi32>,
      %broadcast_in_dim3A_112 = arith.constant 0 : i32
      %broadcast_in_dim3A_113 = vector.broadcast %broadcast_in_dim3A_112 : i32 to vector<16xi32>
      %swap3A_114 = arith.constant 336 : index
      %swap3A_115 = tpu.vector_load %arg9[%swap3A_114] {strides = array<i32>} : memref<448xi32, #tpu.memory_space<vmem>>, vector<16xi32>,
      tpu.vector_store %arg9[%swap3A_114], %broadcast_in_dim3A_113 {strides = array<i32>} : memref<448xi32, #tpu.memory_space<vmem>>, vector<16xi32>,
      %broadcast_in_dim3A_116 = arith.constant 0 : i32
      %broadcast_in_dim3A_117 = vector.broadcast %broadcast_in_dim3A_116 : i32 to vector<16xi32>
      %swap3A_118 = arith.constant 352 : index
      %swap3A_119 = tpu.vector_load %arg9[%swap3A_118] {strides = array<i32>} : memref<448xi32, #tpu.memory_space<vmem>>, vector<16xi32>,
      tpu.vector_store %arg9[%swap3A_118], %broadcast_in_dim3A_117 {strides = array<i32>} : memref<448xi32, #tpu.memory_space<vmem>>, vector<16xi32>,
      %broadcast_in_dim3A_120 = arith.constant 0 : i32
      %broadcast_in_dim3A_121 = vector.broadcast %broadcast_in_dim3A_120 : i32 to vector<16xi32>
      %swap3A_122 = arith.constant 368 : index
      %swap3A_123 = tpu.vector_load %arg9[%swap3A_122] {strides = array<i32>} : memref<448xi32, #tpu.memory_space<vmem>>, vector<16xi32>,
      tpu.vector_store %arg9[%swap3A_122], %broadcast_in_dim3A_121 {strides = array<i32>} : memref<448xi32, #tpu.memory_space<vmem>>, vector<16xi32>,
      %broadcast_in_dim3A_124 = arith.constant 0 : i32
      %broadcast_in_dim3A_125 = vector.broadcast %broadcast_in_dim3A_124 : i32 to vector<16xi32>
      %swap3A_126 = arith.constant 384 : index
      %swap3A_127 = tpu.vector_load %arg9[%swap3A_126] {strides = array<i32>} : memref<448xi32, #tpu.memory_space<vmem>>, vector<16xi32>,
      tpu.vector_store %arg9[%swap3A_126], %broadcast_in_dim3A_125 {strides = array<i32>} : memref<448xi32, #tpu.memory_space<vmem>>, vector<16xi32>,
      %broadcast_in_dim3A_128 = arith.constant 0 : i32
      %broadcast_in_dim3A_129 = vector.broadcast %broadcast_in_dim3A_128 : i32 to vector<16xi32>
      %swap3A_130 = arith.constant 400 : index
      %swap3A_131 = tpu.vector_load %arg9[%swap3A_130] {strides = array<i32>} : memref<448xi32, #tpu.memory_space<vmem>>, vector<16xi32>,
      tpu.vector_store %arg9[%swap3A_130], %broadcast_in_dim3A_129 {strides = array<i32>} : memref<448xi32, #tpu.memory_space<vmem>>, vector<16xi32>,
      %broadcast_in_dim3A_132 = arith.constant 0 : i32
      %broadcast_in_dim3A_133 = vector.broadcast %broadcast_in_dim3A_132 : i32 to vector<16xi32>
      %swap3A_134 = arith.constant 416 : index
      %swap3A_135 = tpu.vector_load %arg9[%swap3A_134] {strides = array<i32>} : memref<448xi32, #tpu.memory_space<vmem>>, vector<16xi32>,
      tpu.vector_store %arg9[%swap3A_134], %broadcast_in_dim3A_133 {strides = array<i32>} : memref<448xi32, #tpu.memory_space<vmem>>, vector<16xi32>,
      %broadcast_in_dim3A_136 = arith.constant 0 : i32
      %broadcast_in_dim3A_137 = vector.broadcast %broadcast_in_dim3A_136 : i32 to vector<16xi32>
      %swap3A_138 = arith.constant 432 : index
      %swap3A_139 = tpu.vector_load %arg9[%swap3A_138] {strides = array<i32>} : memref<448xi32, #tpu.memory_space<vmem>>, vector<16xi32>,
      tpu.vector_store %arg9[%swap3A_138], %broadcast_in_dim3A_137 {strides = array<i32>} : memref<448xi32, #tpu.memory_space<vmem>>, vector<16xi32>,
      %scan3A = arith.constant 0 : i32
      %scan3A_140 = arith.constant 0 : i32
      %scan3A_141 = arith.constant 20 : i32
      %scan3A_142 = arith.addi %scan3A_140, %scan3A_141 : i32
      %scan3A_143 = arith.constant 1 : i32
      scf.for %scan3A_155 = %scan3A_140 to %scan3A_142 step %scan3A_143  : i32 {
        %broadcast_in_dim3A_156 = arith.constant -2147483648 : i32
        %broadcast_in_dim3A_157 = vector.broadcast %broadcast_in_dim3A_156 : i32 to vector<16xi32>
        %broadcast_in_dim3A_158 = arith.constant 0 : i32
        %broadcast_in_dim3A_159 = vector.broadcast %broadcast_in_dim3A_158 : i32 to vector<16xi32>
        %mul3A_160 = arith.constant 16 : i32
        %mul3A_161 = arith.muli %scan3A_155, %mul3A_160 : i32
        %add3A_162 = arith.constant 0 : i32
        %add3A_163 = arith.addi %mul3A_161, %add3A_162 : i32
        %mul3A_164 = arith.constant 16 : i32
        %mul3A_165 = arith.muli %add3A_163, %mul3A_164 : i32
        %get3A = arith.index_cast %mul3A_165 : i32 to index
        %get3A_166 = tpu.vector_load %arg4[%get3A] {strides = array<i32>} : memref<5120xi32, #tpu.memory_space<vmem>>, vector<16xi32>,
        %gt3A = arith.cmpi sgt, %get3A_166, %broadcast_in_dim3A_157 : vector<16xi32>
        %select_n3A = arith.select %gt3A, %get3A_166, %broadcast_in_dim3A_157 : vector<16xi1>, vector<16xi32>
        %mul3A_167 = arith.constant 16 : i32
        %mul3A_168 = arith.muli %scan3A_155, %mul3A_167 : i32
        %add3A_169 = arith.constant 0 : i32
        %add3A_170 = arith.addi %mul3A_168, %add3A_169 : i32
        %broadcast_in_dim3A_171 = vector.broadcast %add3A_170 : i32 to vector<16xi32>
        %select_n3A_172 = arith.select %gt3A, %broadcast_in_dim3A_171, %broadcast_in_dim3A_159 : vector<16xi1>, vector<16xi32>
        %mul3A_173 = arith.constant 16 : i32
        %mul3A_174 = arith.muli %scan3A_155, %mul3A_173 : i32
        %add3A_175 = arith.constant 1 : i32
        %add3A_176 = arith.addi %mul3A_174, %add3A_175 : i32
        %mul3A_177 = arith.constant 16 : i32
        %mul3A_178 = arith.muli %add3A_176, %mul3A_177 : i32
        %get3A_179 = arith.index_cast %mul3A_178 : i32 to index
        %get3A_180 = tpu.vector_load %arg4[%get3A_179] {strides = array<i32>} : memref<5120xi32, #tpu.memory_space<vmem>>, vector<16xi32>,
        %gt3A_181 = arith.cmpi sgt, %get3A_180, %select_n3A : vector<16xi32>
        %select_n3A_182 = arith.select %gt3A_181, %get3A_180, %select_n3A : vector<16xi1>, vector<16xi32>
        %mul3A_183 = arith.constant 16 : i32
        %mul3A_184 = arith.muli %scan3A_155, %mul3A_183 : i32
        %add3A_185 = arith.constant 1 : i32
        %add3A_186 = arith.addi %mul3A_184, %add3A_185 : i32
        %broadcast_in_dim3A_187 = vector.broadcast %add3A_186 : i32 to vector<16xi32>
        %select_n3A_188 = arith.select %gt3A_181, %broadcast_in_dim3A_187, %select_n3A_172 : vector<16xi1>, vector<16xi32>
        %mul3A_189 = arith.constant 16 : i32
        %mul3A_190 = arith.muli %scan3A_155, %mul3A_189 : i32
        %add3A_191 = arith.constant 2 : i32
        %add3A_192 = arith.addi %mul3A_190, %add3A_191 : i32
        %mul3A_193 = arith.constant 16 : i32
        %mul3A_194 = arith.muli %add3A_192, %mul3A_193 : i32
        %get3A_195 = arith.index_cast %mul3A_194 : i32 to index
        %get3A_196 = tpu.vector_load %arg4[%get3A_195] {strides = array<i32>} : memref<5120xi32, #tpu.memory_space<vmem>>, vector<16xi32>,
        %gt3A_197 = arith.cmpi sgt, %get3A_196, %select_n3A_182 : vector<16xi32>
        %select_n3A_198 = arith.select %gt3A_197, %get3A_196, %select_n3A_182 : vector<16xi1>, vector<16xi32>
        %mul3A_199 = arith.constant 16 : i32
        %mul3A_200 = arith.muli %scan3A_155, %mul3A_199 : i32
        %add3A_201 = arith.constant 2 : i32
        %add3A_202 = arith.addi %mul3A_200, %add3A_201 : i32
        %broadcast_in_dim3A_203 = vector.broadcast %add3A_202 : i32 to vector<16xi32>
        %select_n3A_204 = arith.select %gt3A_197, %broadcast_in_dim3A_203, %select_n3A_188 : vector<16xi1>, vector<16xi32>
        %mul3A_205 = arith.constant 16 : i32
        %mul3A_206 = arith.muli %scan3A_155, %mul3A_205 : i32
        %add3A_207 = arith.constant 3 : i32
        %add3A_208 = arith.addi %mul3A_206, %add3A_207 : i32
        %mul3A_209 = arith.constant 16 : i32
        %mul3A_210 = arith.muli %add3A_208, %mul3A_209 : i32
        %get3A_211 = arith.index_cast %mul3A_210 : i32 to index
        %get3A_212 = tpu.vector_load %arg4[%get3A_211] {strides = array<i32>} : memref<5120xi32, #tpu.memory_space<vmem>>, vector<16xi32>,
        %gt3A_213 = arith.cmpi sgt, %get3A_212, %select_n3A_198 : vector<16xi32>
        %select_n3A_214 = arith.select %gt3A_213, %get3A_212, %select_n3A_198 : vector<16xi1>, vector<16xi32>
        %mul3A_215 = arith.constant 16 : i32
        %mul3A_216 = arith.muli %scan3A_155, %mul3A_215 : i32
        %add3A_217 = arith.constant 3 : i32
        %add3A_218 = arith.addi %mul3A_216, %add3A_217 : i32
        %broadcast_in_dim3A_219 = vector.broadcast %add3A_218 : i32 to vector<16xi32>
        %select_n3A_220 = arith.select %gt3A_213, %broadcast_in_dim3A_219, %select_n3A_204 : vector<16xi1>, vector<16xi32>
        %mul3A_221 = arith.constant 16 : i32
        %mul3A_222 = arith.muli %scan3A_155, %mul3A_221 : i32
        %add3A_223 = arith.constant 4 : i32
        %add3A_224 = arith.addi %mul3A_222, %add3A_223 : i32
        %mul3A_225 = arith.constant 16 : i32
        %mul3A_226 = arith.muli %add3A_224, %mul3A_225 : i32
        %get3A_227 = arith.index_cast %mul3A_226 : i32 to index
        %get3A_228 = tpu.vector_load %arg4[%get3A_227] {strides = array<i32>} : memref<5120xi32, #tpu.memory_space<vmem>>, vector<16xi32>,
        %gt3A_229 = arith.cmpi sgt, %get3A_228, %select_n3A_214 : vector<16xi32>
        %select_n3A_230 = arith.select %gt3A_229, %get3A_228, %select_n3A_214 : vector<16xi1>, vector<16xi32>
        %mul3A_231 = arith.constant 16 : i32
        %mul3A_232 = arith.muli %scan3A_155, %mul3A_231 : i32
        %add3A_233 = arith.constant 4 : i32
        %add3A_234 = arith.addi %mul3A_232, %add3A_233 : i32
        %broadcast_in_dim3A_235 = vector.broadcast %add3A_234 : i32 to vector<16xi32>
        %select_n3A_236 = arith.select %gt3A_229, %broadcast_in_dim3A_235, %select_n3A_220 : vector<16xi1>, vector<16xi32>
        %mul3A_237 = arith.constant 16 : i32
        %mul3A_238 = arith.muli %scan3A_155, %mul3A_237 : i32
        %add3A_239 = arith.constant 5 : i32
        %add3A_240 = arith.addi %mul3A_238, %add3A_239 : i32
        %mul3A_241 = arith.constant 16 : i32
        %mul3A_242 = arith.muli %add3A_240, %mul3A_241 : i32
        %get3A_243 = arith.index_cast %mul3A_242 : i32 to index
        %get3A_244 = tpu.vector_load %arg4[%get3A_243] {strides = array<i32>} : memref<5120xi32, #tpu.memory_space<vmem>>, vector<16xi32>,
        %gt3A_245 = arith.cmpi sgt, %get3A_244, %select_n3A_230 : vector<16xi32>
        %select_n3A_246 = arith.select %gt3A_245, %get3A_244, %select_n3A_230 : vector<16xi1>, vector<16xi32>
        %mul3A_247 = arith.constant 16 : i32
        %mul3A_248 = arith.muli %scan3A_155, %mul3A_247 : i32
        %add3A_249 = arith.constant 5 : i32
        %add3A_250 = arith.addi %mul3A_248, %add3A_249 : i32
        %broadcast_in_dim3A_251 = vector.broadcast %add3A_250 : i32 to vector<16xi32>
        %select_n3A_252 = arith.select %gt3A_245, %broadcast_in_dim3A_251, %select_n3A_236 : vector<16xi1>, vector<16xi32>
        %mul3A_253 = arith.constant 16 : i32
        %mul3A_254 = arith.muli %scan3A_155, %mul3A_253 : i32
        %add3A_255 = arith.constant 6 : i32
        %add3A_256 = arith.addi %mul3A_254, %add3A_255 : i32
        %mul3A_257 = arith.constant 16 : i32
        %mul3A_258 = arith.muli %add3A_256, %mul3A_257 : i32
        %get3A_259 = arith.index_cast %mul3A_258 : i32 to index
        %get3A_260 = tpu.vector_load %arg4[%get3A_259] {strides = array<i32>} : memref<5120xi32, #tpu.memory_space<vmem>>, vector<16xi32>,
        %gt3A_261 = arith.cmpi sgt, %get3A_260, %select_n3A_246 : vector<16xi32>
        %select_n3A_262 = arith.select %gt3A_261, %get3A_260, %select_n3A_246 : vector<16xi1>, vector<16xi32>
        %mul3A_263 = arith.constant 16 : i32
        %mul3A_264 = arith.muli %scan3A_155, %mul3A_263 : i32
        %add3A_265 = arith.constant 6 : i32
        %add3A_266 = arith.addi %mul3A_264, %add3A_265 : i32
        %broadcast_in_dim3A_267 = vector.broadcast %add3A_266 : i32 to vector<16xi32>
        %select_n3A_268 = arith.select %gt3A_261, %broadcast_in_dim3A_267, %select_n3A_252 : vector<16xi1>, vector<16xi32>
        %mul3A_269 = arith.constant 16 : i32
        %mul3A_270 = arith.muli %scan3A_155, %mul3A_269 : i32
        %add3A_271 = arith.constant 7 : i32
        %add3A_272 = arith.addi %mul3A_270, %add3A_271 : i32
        %mul3A_273 = arith.constant 16 : i32
        %mul3A_274 = arith.muli %add3A_272, %mul3A_273 : i32
        %get3A_275 = arith.index_cast %mul3A_274 : i32 to index
        %get3A_276 = tpu.vector_load %arg4[%get3A_275] {strides = array<i32>} : memref<5120xi32, #tpu.memory_space<vmem>>, vector<16xi32>,
        %gt3A_277 = arith.cmpi sgt, %get3A_276, %select_n3A_262 : vector<16xi32>
        %select_n3A_278 = arith.select %gt3A_277, %get3A_276, %select_n3A_262 : vector<16xi1>, vector<16xi32>
        %mul3A_279 = arith.constant 16 : i32
        %mul3A_280 = arith.muli %scan3A_155, %mul3A_279 : i32
        %add3A_281 = arith.constant 7 : i32
        %add3A_282 = arith.addi %mul3A_280, %add3A_281 : i32
        %broadcast_in_dim3A_283 = vector.broadcast %add3A_282 : i32 to vector<16xi32>
        %select_n3A_284 = arith.select %gt3A_277, %broadcast_in_dim3A_283, %select_n3A_268 : vector<16xi1>, vector<16xi32>
        %mul3A_285 = arith.constant 16 : i32
        %mul3A_286 = arith.muli %scan3A_155, %mul3A_285 : i32
        %add3A_287 = arith.constant 8 : i32
        %add3A_288 = arith.addi %mul3A_286, %add3A_287 : i32
        %mul3A_289 = arith.constant 16 : i32
        %mul3A_290 = arith.muli %add3A_288, %mul3A_289 : i32
        %get3A_291 = arith.index_cast %mul3A_290 : i32 to index
        %get3A_292 = tpu.vector_load %arg4[%get3A_291] {strides = array<i32>} : memref<5120xi32, #tpu.memory_space<vmem>>, vector<16xi32>,
        %gt3A_293 = arith.cmpi sgt, %get3A_292, %select_n3A_278 : vector<16xi32>
        %select_n3A_294 = arith.select %gt3A_293, %get3A_292, %select_n3A_278 : vector<16xi1>, vector<16xi32>
        %mul3A_295 = arith.constant 16 : i32
        %mul3A_296 = arith.muli %scan3A_155, %mul3A_295 : i32
        %add3A_297 = arith.constant 8 : i32
        %add3A_298 = arith.addi %mul3A_296, %add3A_297 : i32
        %broadcast_in_dim3A_299 = vector.broadcast %add3A_298 : i32 to vector<16xi32>
        %select_n3A_300 = arith.select %gt3A_293, %broadcast_in_dim3A_299, %select_n3A_284 : vector<16xi1>, vector<16xi32>
        %mul3A_301 = arith.constant 16 : i32
        %mul3A_302 = arith.muli %scan3A_155, %mul3A_301 : i32
        %add3A_303 = arith.constant 9 : i32
        %add3A_304 = arith.addi %mul3A_302, %add3A_303 : i32
        %mul3A_305 = arith.constant 16 : i32
        %mul3A_306 = arith.muli %add3A_304, %mul3A_305 : i32
        %get3A_307 = arith.index_cast %mul3A_306 : i32 to index
        %get3A_308 = tpu.vector_load %arg4[%get3A_307] {strides = array<i32>} : memref<5120xi32, #tpu.memory_space<vmem>>, vector<16xi32>,
        %gt3A_309 = arith.cmpi sgt, %get3A_308, %select_n3A_294 : vector<16xi32>
        %select_n3A_310 = arith.select %gt3A_309, %get3A_308, %select_n3A_294 : vector<16xi1>, vector<16xi32>
        %mul3A_311 = arith.constant 16 : i32
        %mul3A_312 = arith.muli %scan3A_155, %mul3A_311 : i32
        %add3A_313 = arith.constant 9 : i32
        %add3A_314 = arith.addi %mul3A_312, %add3A_313 : i32
        %broadcast_in_dim3A_315 = vector.broadcast %add3A_314 : i32 to vector<16xi32>
        %select_n3A_316 = arith.select %gt3A_309, %broadcast_in_dim3A_315, %select_n3A_300 : vector<16xi1>, vector<16xi32>
        %mul3A_317 = arith.constant 16 : i32
        %mul3A_318 = arith.muli %scan3A_155, %mul3A_317 : i32
        %add3A_319 = arith.constant 10 : i32
        %add3A_320 = arith.addi %mul3A_318, %add3A_319 : i32
        %mul3A_321 = arith.constant 16 : i32
        %mul3A_322 = arith.muli %add3A_320, %mul3A_321 : i32
        %get3A_323 = arith.index_cast %mul3A_322 : i32 to index
        %get3A_324 = tpu.vector_load %arg4[%get3A_323] {strides = array<i32>} : memref<5120xi32, #tpu.memory_space<vmem>>, vector<16xi32>,
        %gt3A_325 = arith.cmpi sgt, %get3A_324, %select_n3A_310 : vector<16xi32>
        %select_n3A_326 = arith.select %gt3A_325, %get3A_324, %select_n3A_310 : vector<16xi1>, vector<16xi32>
        %mul3A_327 = arith.constant 16 : i32
        %mul3A_328 = arith.muli %scan3A_155, %mul3A_327 : i32
        %add3A_329 = arith.constant 10 : i32
        %add3A_330 = arith.addi %mul3A_328, %add3A_329 : i32
        %broadcast_in_dim3A_331 = vector.broadcast %add3A_330 : i32 to vector<16xi32>
        %select_n3A_332 = arith.select %gt3A_325, %broadcast_in_dim3A_331, %select_n3A_316 : vector<16xi1>, vector<16xi32>
        %mul3A_333 = arith.constant 16 : i32
        %mul3A_334 = arith.muli %scan3A_155, %mul3A_333 : i32
        %add3A_335 = arith.constant 11 : i32
        %add3A_336 = arith.addi %mul3A_334, %add3A_335 : i32
        %mul3A_337 = arith.constant 16 : i32
        %mul3A_338 = arith.muli %add3A_336, %mul3A_337 : i32
        %get3A_339 = arith.index_cast %mul3A_338 : i32 to index
        %get3A_340 = tpu.vector_load %arg4[%get3A_339] {strides = array<i32>} : memref<5120xi32, #tpu.memory_space<vmem>>, vector<16xi32>,
        %gt3A_341 = arith.cmpi sgt, %get3A_340, %select_n3A_326 : vector<16xi32>
        %select_n3A_342 = arith.select %gt3A_341, %get3A_340, %select_n3A_326 : vector<16xi1>, vector<16xi32>
        %mul3A_343 = arith.constant 16 : i32
        %mul3A_344 = arith.muli %scan3A_155, %mul3A_343 : i32
        %add3A_345 = arith.constant 11 : i32
        %add3A_346 = arith.addi %mul3A_344, %add3A_345 : i32
        %broadcast_in_dim3A_347 = vector.broadcast %add3A_346 : i32 to vector<16xi32>
        %select_n3A_348 = arith.select %gt3A_341, %broadcast_in_dim3A_347, %select_n3A_332 : vector<16xi1>, vector<16xi32>
        %mul3A_349 = arith.constant 16 : i32
        %mul3A_350 = arith.muli %scan3A_155, %mul3A_349 : i32
        %add3A_351 = arith.constant 12 : i32
        %add3A_352 = arith.addi %mul3A_350, %add3A_351 : i32
        %mul3A_353 = arith.constant 16 : i32
        %mul3A_354 = arith.muli %add3A_352, %mul3A_353 : i32
        %get3A_355 = arith.index_cast %mul3A_354 : i32 to index
        %get3A_356 = tpu.vector_load %arg4[%get3A_355] {strides = array<i32>} : memref<5120xi32, #tpu.memory_space<vmem>>, vector<16xi32>,
        %gt3A_357 = arith.cmpi sgt, %get3A_356, %select_n3A_342 : vector<16xi32>
        %select_n3A_358 = arith.select %gt3A_357, %get3A_356, %select_n3A_342 : vector<16xi1>, vector<16xi32>
        %mul3A_359 = arith.constant 16 : i32
        %mul3A_360 = arith.muli %scan3A_155, %mul3A_359 : i32
        %add3A_361 = arith.constant 12 : i32
        %add3A_362 = arith.addi %mul3A_360, %add3A_361 : i32
        %broadcast_in_dim3A_363 = vector.broadcast %add3A_362 : i32 to vector<16xi32>
        %select_n3A_364 = arith.select %gt3A_357, %broadcast_in_dim3A_363, %select_n3A_348 : vector<16xi1>, vector<16xi32>
        %mul3A_365 = arith.constant 16 : i32
        %mul3A_366 = arith.muli %scan3A_155, %mul3A_365 : i32
        %add3A_367 = arith.constant 13 : i32
        %add3A_368 = arith.addi %mul3A_366, %add3A_367 : i32
        %mul3A_369 = arith.constant 16 : i32
        %mul3A_370 = arith.muli %add3A_368, %mul3A_369 : i32
        %get3A_371 = arith.index_cast %mul3A_370 : i32 to index
        %get3A_372 = tpu.vector_load %arg4[%get3A_371] {strides = array<i32>} : memref<5120xi32, #tpu.memory_space<vmem>>, vector<16xi32>,
        %gt3A_373 = arith.cmpi sgt, %get3A_372, %select_n3A_358 : vector<16xi32>
        %select_n3A_374 = arith.select %gt3A_373, %get3A_372, %select_n3A_358 : vector<16xi1>, vector<16xi32>
        %mul3A_375 = arith.constant 16 : i32
        %mul3A_376 = arith.muli %scan3A_155, %mul3A_375 : i32
        %add3A_377 = arith.constant 13 : i32
        %add3A_378 = arith.addi %mul3A_376, %add3A_377 : i32
        %broadcast_in_dim3A_379 = vector.broadcast %add3A_378 : i32 to vector<16xi32>
        %select_n3A_380 = arith.select %gt3A_373, %broadcast_in_dim3A_379, %select_n3A_364 : vector<16xi1>, vector<16xi32>
        %mul3A_381 = arith.constant 16 : i32
        %mul3A_382 = arith.muli %scan3A_155, %mul3A_381 : i32
        %add3A_383 = arith.constant 14 : i32
        %add3A_384 = arith.addi %mul3A_382, %add3A_383 : i32
        %mul3A_385 = arith.constant 16 : i32
        %mul3A_386 = arith.muli %add3A_384, %mul3A_385 : i32
        %get3A_387 = arith.index_cast %mul3A_386 : i32 to index
        %get3A_388 = tpu.vector_load %arg4[%get3A_387] {strides = array<i32>} : memref<5120xi32, #tpu.memory_space<vmem>>, vector<16xi32>,
        %gt3A_389 = arith.cmpi sgt, %get3A_388, %select_n3A_374 : vector<16xi32>
        %select_n3A_390 = arith.select %gt3A_389, %get3A_388, %select_n3A_374 : vector<16xi1>, vector<16xi32>
        %mul3A_391 = arith.constant 16 : i32
        %mul3A_392 = arith.muli %scan3A_155, %mul3A_391 : i32
        %add3A_393 = arith.constant 14 : i32
        %add3A_394 = arith.addi %mul3A_392, %add3A_393 : i32
        %broadcast_in_dim3A_395 = vector.broadcast %add3A_394 : i32 to vector<16xi32>
        %select_n3A_396 = arith.select %gt3A_389, %broadcast_in_dim3A_395, %select_n3A_380 : vector<16xi1>, vector<16xi32>
        %mul3A_397 = arith.constant 16 : i32
        %mul3A_398 = arith.muli %scan3A_155, %mul3A_397 : i32
        %add3A_399 = arith.constant 15 : i32
        %add3A_400 = arith.addi %mul3A_398, %add3A_399 : i32
        %mul3A_401 = arith.constant 16 : i32
        %mul3A_402 = arith.muli %add3A_400, %mul3A_401 : i32
        %get3A_403 = arith.index_cast %mul3A_402 : i32 to index
        %get3A_404 = tpu.vector_load %arg4[%get3A_403] {strides = array<i32>} : memref<5120xi32, #tpu.memory_space<vmem>>, vector<16xi32>,
        %gt3A_405 = arith.cmpi sgt, %get3A_404, %select_n3A_390 : vector<16xi32>
        %select_n3A_406 = arith.select %gt3A_405, %get3A_404, %select_n3A_390 : vector<16xi1>, vector<16xi32>
        %mul3A_407 = arith.constant 16 : i32
        %mul3A_408 = arith.muli %scan3A_155, %mul3A_407 : i32
        %add3A_409 = arith.constant 15 : i32
        %add3A_410 = arith.addi %mul3A_408, %add3A_409 : i32
        %broadcast_in_dim3A_411 = vector.broadcast %add3A_410 : i32 to vector<16xi32>
        %select_n3A_412 = arith.select %gt3A_405, %broadcast_in_dim3A_411, %select_n3A_396 : vector<16xi1>, vector<16xi32>
        %mul3A_413 = arith.constant 16 : i32
        %mul3A_414 = arith.muli %scan3A_155, %mul3A_413 : i32
        %swap3A_415 = arith.index_cast %mul3A_414 : i32 to index
        %swap3A_416 = tpu.vector_load %arg10[%swap3A_415] {strides = array<i32>} : memref<320xi32, #tpu.memory_space<vmem>>, vector<16xi32>,
        tpu.vector_store %arg10[%swap3A_415], %select_n3A_406 {strides = array<i32>} : memref<320xi32, #tpu.memory_space<vmem>>, vector<16xi32>,
        %mul3A_417 = arith.constant 16 : i32
        %mul3A_418 = arith.muli %scan3A_155, %mul3A_417 : i32
        %swap3A_419 = arith.index_cast %mul3A_418 : i32 to index
        %swap3A_420 = tpu.vector_load %arg11[%swap3A_419] {strides = array<i32>} : memref<320xi32, #tpu.memory_space<vmem>>, vector<16xi32>,
        tpu.vector_store %arg11[%swap3A_419], %select_n3A_412 {strides = array<i32>} : memref<320xi32, #tpu.memory_space<vmem>>, vector<16xi32>,
      }
      %scan3A_144 = arith.constant 20 : i32
      %scan3A_145 = arith.constant 0 : i32
      %scan3A_146 = arith.constant 0 : i32
      %scan3A_147 = arith.constant 100 : i32
      %scan3A_148 = arith.addi %scan3A_146, %scan3A_147 : i32
      %scan3A_149 = arith.constant 1 : i32
      scf.for %scan3A_155 = %scan3A_146 to %scan3A_148 step %scan3A_149  : i32 {
        %broadcast_in_dim3A_156 = arith.constant -2147483648 : i32
        %broadcast_in_dim3A_157 = vector.broadcast %broadcast_in_dim3A_156 : i32 to vector<16xi32>
        %scan3A_158 = arith.constant 0 : i32
        %scan3A_159 = arith.constant 20 : i32
        %scan3A_160 = arith.addi %scan3A_158, %scan3A_159 : i32
        %scan3A_161 = arith.constant 1 : i32
        %scan3A_162:2 = scf.for %scan3A_496 = %scan3A_158 to %scan3A_160 step %scan3A_161 iter_args(%scan3A_497 = %broadcast_in_dim3A_157, %scan3A_498 = %iota3A) -> (vector<16xi32>, vector<16xi32>)  : i32 {
          %mul3A_499 = arith.constant 16 : i32
          %mul3A_500 = arith.muli %scan3A_496, %mul3A_499 : i32
          %get3A_501 = arith.index_cast %mul3A_500 : i32 to index
          %get3A_502 = tpu.vector_load %arg10[%get3A_501] {strides = array<i32>} : memref<320xi32, #tpu.memory_space<vmem>>, vector<16xi32>,
          %mul3A_503 = arith.constant 16 : i32
          %mul3A_504 = arith.muli %scan3A_496, %mul3A_503 : i32
          %get3A_505 = arith.index_cast %mul3A_504 : i32 to index
          %get3A_506 = tpu.vector_load %arg11[%get3A_505] {strides = array<i32>} : memref<320xi32, #tpu.memory_space<vmem>>, vector<16xi32>,
          %mul3A_507 = arith.constant 16 : i32
          %mul3A_508 = vector.broadcast %mul3A_507 : i32 to vector<16xi32>
          %mul3A_509 = arith.muli %get3A_506, %mul3A_508 : vector<16xi32>
          %add3A_510 = arith.addi %mul3A_509, %iota3A : vector<16xi32>
          %gt3A_511 = arith.cmpi sgt, %get3A_502, %scan3A_497 : vector<16xi32>
          %select_n3A_512 = arith.select %gt3A_511, %get3A_502, %scan3A_497 : vector<16xi1>, vector<16xi32>
          %select_n3A_513 = arith.select %gt3A_511, %add3A_510, %scan3A_498 : vector<16xi1>, vector<16xi32>
          scf.yield %select_n3A_512, %select_n3A_513 : vector<16xi32>, vector<16xi32>
        }
        %scan3A_163 = arith.constant 20 : i32
        %swap3A_164 = arith.constant 0 : index
        %swap3A_165 = tpu.vector_load %arg12[%swap3A_164] {strides = array<i32>} : memref<16xi32, #tpu.memory_space<vmem>>, vector<16xi32>,
        tpu.vector_store %arg12[%swap3A_164], %scan3A_162#0 {strides = array<i32>} : memref<16xi32, #tpu.memory_space<vmem>>, vector<16xi32>,
        %swap3A_166 = arith.constant 0 : index
        %swap3A_167 = tpu.vector_load %arg13[%swap3A_166] {strides = array<i32>} : memref<16xi32, #tpu.memory_space<vmem>>, vector<16xi32>,
        tpu.vector_store %arg13[%swap3A_166], %scan3A_162#1 {strides = array<i32>} : memref<16xi32, #tpu.memory_space<vmem>>, vector<16xi32>,
        %xor3A = arith.constant 8 : i32
        %xor3A_168 = vector.broadcast %xor3A : i32 to vector<16xi32>
        %xor3A_169 = arith.xori %iota3A, %xor3A_168 : vector<16xi32>
        %gather3A = tpu.vector_load_idx %arg12[%xor3A_169] : memref<16xi32, #tpu.memory_space<vmem>>[vector<16xi32>], vector<16xi32>,
        %gather3A_170 = tpu.vector_load_idx %arg13[%xor3A_169] : memref<16xi32, #tpu.memory_space<vmem>>[vector<16xi32>], vector<16xi32>,
        %gt3A = arith.cmpi sgt, %gather3A, %scan3A_162#0 : vector<16xi32>
        %eq3A_171 = arith.cmpi eq, %gather3A, %scan3A_162#0 : vector<16xi32>
        %lt3A = arith.cmpi slt, %gather3A_170, %scan3A_162#1 : vector<16xi32>
        %and3A = arith.andi %eq3A_171, %lt3A : vector<16xi1>
        %or3A = arith.ori %gt3A, %and3A : vector<16xi1>
        %select_n3A = arith.select %or3A, %gather3A, %scan3A_162#0 : vector<16xi1>, vector<16xi32>
        %select_n3A_172 = arith.select %or3A, %gather3A_170, %scan3A_162#1 : vector<16xi1>, vector<16xi32>
        %swap3A_173 = arith.constant 0 : index
        %swap3A_174 = tpu.vector_load %arg12[%swap3A_173] {strides = array<i32>} : memref<16xi32, #tpu.memory_space<vmem>>, vector<16xi32>,
        tpu.vector_store %arg12[%swap3A_173], %select_n3A {strides = array<i32>} : memref<16xi32, #tpu.memory_space<vmem>>, vector<16xi32>,
        %swap3A_175 = arith.constant 0 : index
        %swap3A_176 = tpu.vector_load %arg13[%swap3A_175] {strides = array<i32>} : memref<16xi32, #tpu.memory_space<vmem>>, vector<16xi32>,
        tpu.vector_store %arg13[%swap3A_175], %select_n3A_172 {strides = array<i32>} : memref<16xi32, #tpu.memory_space<vmem>>, vector<16xi32>,
        %xor3A_177 = arith.constant 4 : i32
        %xor3A_178 = vector.broadcast %xor3A_177 : i32 to vector<16xi32>
        %xor3A_179 = arith.xori %iota3A, %xor3A_178 : vector<16xi32>
        %gather3A_180 = tpu.vector_load_idx %arg12[%xor3A_179] : memref<16xi32, #tpu.memory_space<vmem>>[vector<16xi32>], vector<16xi32>,
        %gather3A_181 = tpu.vector_load_idx %arg13[%xor3A_179] : memref<16xi32, #tpu.memory_space<vmem>>[vector<16xi32>], vector<16xi32>,
        %gt3A_182 = arith.cmpi sgt, %gather3A_180, %select_n3A : vector<16xi32>
        %eq3A_183 = arith.cmpi eq, %gather3A_180, %select_n3A : vector<16xi32>
        %lt3A_184 = arith.cmpi slt, %gather3A_181, %select_n3A_172 : vector<16xi32>
        %and3A_185 = arith.andi %eq3A_183, %lt3A_184 : vector<16xi1>
        %or3A_186 = arith.ori %gt3A_182, %and3A_185 : vector<16xi1>
        %select_n3A_187 = arith.select %or3A_186, %gather3A_180, %select_n3A : vector<16xi1>, vector<16xi32>
        %select_n3A_188 = arith.select %or3A_186, %gather3A_181, %select_n3A_172 : vector<16xi1>, vector<16xi32>
        %swap3A_189 = arith.constant 0 : index
        %swap3A_190 = tpu.vector_load %arg12[%swap3A_189] {strides = array<i32>} : memref<16xi32, #tpu.memory_space<vmem>>, vector<16xi32>,
        tpu.vector_store %arg12[%swap3A_189], %select_n3A_187 {strides = array<i32>} : memref<16xi32, #tpu.memory_space<vmem>>, vector<16xi32>,
        %swap3A_191 = arith.constant 0 : index
        %swap3A_192 = tpu.vector_load %arg13[%swap3A_191] {strides = array<i32>} : memref<16xi32, #tpu.memory_space<vmem>>, vector<16xi32>,
        tpu.vector_store %arg13[%swap3A_191], %select_n3A_188 {strides = array<i32>} : memref<16xi32, #tpu.memory_space<vmem>>, vector<16xi32>,
        %xor3A_193 = arith.constant 2 : i32
        %xor3A_194 = vector.broadcast %xor3A_193 : i32 to vector<16xi32>
        %xor3A_195 = arith.xori %iota3A, %xor3A_194 : vector<16xi32>
        %gather3A_196 = tpu.vector_load_idx %arg12[%xor3A_195] : memref<16xi32, #tpu.memory_space<vmem>>[vector<16xi32>], vector<16xi32>,
        %gather3A_197 = tpu.vector_load_idx %arg13[%xor3A_195] : memref<16xi32, #tpu.memory_space<vmem>>[vector<16xi32>], vector<16xi32>,
        %gt3A_198 = arith.cmpi sgt, %gather3A_196, %select_n3A_187 : vector<16xi32>
        %eq3A_199 = arith.cmpi eq, %gather3A_196, %select_n3A_187 : vector<16xi32>
        %lt3A_200 = arith.cmpi slt, %gather3A_197, %select_n3A_188 : vector<16xi32>
        %and3A_201 = arith.andi %eq3A_199, %lt3A_200 : vector<16xi1>
        %or3A_202 = arith.ori %gt3A_198, %and3A_201 : vector<16xi1>
        %select_n3A_203 = arith.select %or3A_202, %gather3A_196, %select_n3A_187 : vector<16xi1>, vector<16xi32>
        %select_n3A_204 = arith.select %or3A_202, %gather3A_197, %select_n3A_188 : vector<16xi1>, vector<16xi32>
        %swap3A_205 = arith.constant 0 : index
        %swap3A_206 = tpu.vector_load %arg12[%swap3A_205] {strides = array<i32>} : memref<16xi32, #tpu.memory_space<vmem>>, vector<16xi32>,
        tpu.vector_store %arg12[%swap3A_205], %select_n3A_203 {strides = array<i32>} : memref<16xi32, #tpu.memory_space<vmem>>, vector<16xi32>,
        %swap3A_207 = arith.constant 0 : index
        %swap3A_208 = tpu.vector_load %arg13[%swap3A_207] {strides = array<i32>} : memref<16xi32, #tpu.memory_space<vmem>>, vector<16xi32>,
        tpu.vector_store %arg13[%swap3A_207], %select_n3A_204 {strides = array<i32>} : memref<16xi32, #tpu.memory_space<vmem>>, vector<16xi32>,
        %xor3A_209 = arith.constant 1 : i32
        %xor3A_210 = vector.broadcast %xor3A_209 : i32 to vector<16xi32>
        %xor3A_211 = arith.xori %iota3A, %xor3A_210 : vector<16xi32>
        %gather3A_212 = tpu.vector_load_idx %arg12[%xor3A_211] : memref<16xi32, #tpu.memory_space<vmem>>[vector<16xi32>], vector<16xi32>,
        %gather3A_213 = tpu.vector_load_idx %arg13[%xor3A_211] : memref<16xi32, #tpu.memory_space<vmem>>[vector<16xi32>], vector<16xi32>,
        %gt3A_214 = arith.cmpi sgt, %gather3A_212, %select_n3A_203 : vector<16xi32>
        %eq3A_215 = arith.cmpi eq, %gather3A_212, %select_n3A_203 : vector<16xi32>
        %lt3A_216 = arith.cmpi slt, %gather3A_213, %select_n3A_204 : vector<16xi32>
        %and3A_217 = arith.andi %eq3A_215, %lt3A_216 : vector<16xi1>
        %or3A_218 = arith.ori %gt3A_214, %and3A_217 : vector<16xi1>
        %select_n3A_219 = arith.select %or3A_218, %gather3A_212, %select_n3A_203 : vector<16xi1>, vector<16xi32>
        %select_n3A_220 = arith.select %or3A_218, %gather3A_213, %select_n3A_204 : vector<16xi1>, vector<16xi32>
        %slice3A = vector.extract_strided_slice %select_n3A_220 {offsets = [0], sizes = [1], strides = [1]} : vector<16xi32> to vector<1xi32>
        %squeeze3A = vector.extract %slice3A[0] : i32 from vector<1xi32>
        %eq3A_221 = arith.constant 0 : i32
        %eq3A_222 = vector.broadcast %eq3A_221 : i32 to vector<16xi32>
        %eq3A_223 = arith.cmpi eq, %iota3A, %eq3A_222 : vector<16xi32>
        %broadcast_in_dim3A_224 = arith.constant -2147483648 : i32
        %broadcast_in_dim3A_225 = vector.broadcast %broadcast_in_dim3A_224 : i32 to vector<16xi32>
        tpu.vector_store_idx %arg4[%select_n3A_220], %broadcast_in_dim3A_225 masked %eq3A_223 : memref<5120xi32, #tpu.memory_space<vmem>>[vector<16xi32>], vector<16xi32>, vector<16xi1>
        %jit3A = arith.constant 256 : i32
        %div3A = arith.divsi %squeeze3A, %jit3A : i32
        %sign3A = arith.constant 0 : i32
        %sign3A_226 = arith.cmpi sgt, %squeeze3A, %sign3A : i32
        %sign3A_227 = arith.extui %sign3A_226 : i1 to i32
        %sign3A_228 = arith.constant 0 : i32
        %sign3A_229 = arith.cmpi slt, %squeeze3A, %sign3A_228 : i32
        %sign3A_230 = arith.extui %sign3A_229 : i1 to i32
        %sign3A_231 = arith.subi %sign3A_227, %sign3A_230 : i32
        %sign3A_232 = arith.constant 0 : i32
        %sign3A_233 = arith.cmpi sgt, %jit3A, %sign3A_232 : i32
        %sign3A_234 = arith.extui %sign3A_233 : i1 to i32
        %sign3A_235 = arith.constant 0 : i32
        %sign3A_236 = arith.cmpi slt, %jit3A, %sign3A_235 : i32
        %sign3A_237 = arith.extui %sign3A_236 : i1 to i32
        %sign3A_238 = arith.subi %sign3A_234, %sign3A_237 : i32
        %ne3A = arith.cmpi ne, %sign3A_231, %sign3A_238 : i32
        %rem3A = arith.remsi %squeeze3A, %jit3A : i32
        %ne3A_239 = arith.constant 0 : i32
        %ne3A_240 = arith.cmpi ne, %rem3A, %ne3A_239 : i32
        %and3A_241 = arith.andi %ne3A, %ne3A_240 : i1
        %sub3A = arith.constant 1 : i32
        %sub3A_242 = arith.subi %div3A, %sub3A : i32
        %select_n3A_243 = arith.select %and3A_241, %sub3A_242, %div3A : i32
        %broadcast_in_dim3A_244 = arith.constant -2147483648 : i32
        %broadcast_in_dim3A_245 = vector.broadcast %broadcast_in_dim3A_244 : i32 to vector<16xi32>
        %broadcast_in_dim3A_246 = arith.constant 0 : i32
        %broadcast_in_dim3A_247 = vector.broadcast %broadcast_in_dim3A_246 : i32 to vector<16xi32>
        %mul3A_248 = arith.constant 256 : i32
        %mul3A_249 = arith.muli %select_n3A_243, %mul3A_248 : i32
        %add3A_250 = arith.constant 0 : i32
        %add3A_251 = arith.addi %mul3A_249, %add3A_250 : i32
        %get3A = arith.index_cast %add3A_251 : i32 to index
        %get3A_252 = tpu.vector_load %arg4[%get3A] {strides = array<i32>} : memref<5120xi32, #tpu.memory_space<vmem>>, vector<16xi32>,
        %gt3A_253 = arith.cmpi sgt, %get3A_252, %broadcast_in_dim3A_245 : vector<16xi32>
        %select_n3A_254 = arith.select %gt3A_253, %get3A_252, %broadcast_in_dim3A_245 : vector<16xi1>, vector<16xi32>
        %mul3A_255 = arith.constant 16 : i32
        %mul3A_256 = arith.muli %select_n3A_243, %mul3A_255 : i32
        %add3A_257 = arith.constant 0 : i32
        %add3A_258 = arith.addi %mul3A_256, %add3A_257 : i32
        %broadcast_in_dim3A_259 = vector.broadcast %add3A_258 : i32 to vector<16xi32>
        %select_n3A_260 = arith.select %gt3A_253, %broadcast_in_dim3A_259, %broadcast_in_dim3A_247 : vector<16xi1>, vector<16xi32>
        %mul3A_261 = arith.constant 256 : i32
        %mul3A_262 = arith.muli %select_n3A_243, %mul3A_261 : i32
        %add3A_263 = arith.constant 16 : i32
        %add3A_264 = arith.addi %mul3A_262, %add3A_263 : i32
        %get3A_265 = arith.index_cast %add3A_264 : i32 to index
        %get3A_266 = tpu.vector_load %arg4[%get3A_265] {strides = array<i32>} : memref<5120xi32, #tpu.memory_space<vmem>>, vector<16xi32>,
        %gt3A_267 = arith.cmpi sgt, %get3A_266, %select_n3A_254 : vector<16xi32>
        %select_n3A_268 = arith.select %gt3A_267, %get3A_266, %select_n3A_254 : vector<16xi1>, vector<16xi32>
        %mul3A_269 = arith.constant 16 : i32
        %mul3A_270 = arith.muli %select_n3A_243, %mul3A_269 : i32
        %add3A_271 = arith.constant 1 : i32
        %add3A_272 = arith.addi %mul3A_270, %add3A_271 : i32
        %broadcast_in_dim3A_273 = vector.broadcast %add3A_272 : i32 to vector<16xi32>
        %select_n3A_274 = arith.select %gt3A_267, %broadcast_in_dim3A_273, %select_n3A_260 : vector<16xi1>, vector<16xi32>
        %mul3A_275 = arith.constant 256 : i32
        %mul3A_276 = arith.muli %select_n3A_243, %mul3A_275 : i32
        %add3A_277 = arith.constant 32 : i32
        %add3A_278 = arith.addi %mul3A_276, %add3A_277 : i32
        %get3A_279 = arith.index_cast %add3A_278 : i32 to index
        %get3A_280 = tpu.vector_load %arg4[%get3A_279] {strides = array<i32>} : memref<5120xi32, #tpu.memory_space<vmem>>, vector<16xi32>,
        %gt3A_281 = arith.cmpi sgt, %get3A_280, %select_n3A_268 : vector<16xi32>
        %select_n3A_282 = arith.select %gt3A_281, %get3A_280, %select_n3A_268 : vector<16xi1>, vector<16xi32>
        %mul3A_283 = arith.constant 16 : i32
        %mul3A_284 = arith.muli %select_n3A_243, %mul3A_283 : i32
        %add3A_285 = arith.constant 2 : i32
        %add3A_286 = arith.addi %mul3A_284, %add3A_285 : i32
        %broadcast_in_dim3A_287 = vector.broadcast %add3A_286 : i32 to vector<16xi32>
        %select_n3A_288 = arith.select %gt3A_281, %broadcast_in_dim3A_287, %select_n3A_274 : vector<16xi1>, vector<16xi32>
        %mul3A_289 = arith.constant 256 : i32
        %mul3A_290 = arith.muli %select_n3A_243, %mul3A_289 : i32
        %add3A_291 = arith.constant 48 : i32
        %add3A_292 = arith.addi %mul3A_290, %add3A_291 : i32
        %get3A_293 = arith.index_cast %add3A_292 : i32 to index
        %get3A_294 = tpu.vector_load %arg4[%get3A_293] {strides = array<i32>} : memref<5120xi32, #tpu.memory_space<vmem>>, vector<16xi32>,
        %gt3A_295 = arith.cmpi sgt, %get3A_294, %select_n3A_282 : vector<16xi32>
        %select_n3A_296 = arith.select %gt3A_295, %get3A_294, %select_n3A_282 : vector<16xi1>, vector<16xi32>
        %mul3A_297 = arith.constant 16 : i32
        %mul3A_298 = arith.muli %select_n3A_243, %mul3A_297 : i32
        %add3A_299 = arith.constant 3 : i32
        %add3A_300 = arith.addi %mul3A_298, %add3A_299 : i32
        %broadcast_in_dim3A_301 = vector.broadcast %add3A_300 : i32 to vector<16xi32>
        %select_n3A_302 = arith.select %gt3A_295, %broadcast_in_dim3A_301, %select_n3A_288 : vector<16xi1>, vector<16xi32>
        %mul3A_303 = arith.constant 256 : i32
        %mul3A_304 = arith.muli %select_n3A_243, %mul3A_303 : i32
        %add3A_305 = arith.constant 64 : i32
        %add3A_306 = arith.addi %mul3A_304, %add3A_305 : i32
        %get3A_307 = arith.index_cast %add3A_306 : i32 to index
        %get3A_308 = tpu.vector_load %arg4[%get3A_307] {strides = array<i32>} : memref<5120xi32, #tpu.memory_space<vmem>>, vector<16xi32>,
        %gt3A_309 = arith.cmpi sgt, %get3A_308, %select_n3A_296 : vector<16xi32>
        %select_n3A_310 = arith.select %gt3A_309, %get3A_308, %select_n3A_296 : vector<16xi1>, vector<16xi32>
        %mul3A_311 = arith.constant 16 : i32
        %mul3A_312 = arith.muli %select_n3A_243, %mul3A_311 : i32
        %add3A_313 = arith.constant 4 : i32
        %add3A_314 = arith.addi %mul3A_312, %add3A_313 : i32
        %broadcast_in_dim3A_315 = vector.broadcast %add3A_314 : i32 to vector<16xi32>
        %select_n3A_316 = arith.select %gt3A_309, %broadcast_in_dim3A_315, %select_n3A_302 : vector<16xi1>, vector<16xi32>
        %mul3A_317 = arith.constant 256 : i32
        %mul3A_318 = arith.muli %select_n3A_243, %mul3A_317 : i32
        %add3A_319 = arith.constant 80 : i32
        %add3A_320 = arith.addi %mul3A_318, %add3A_319 : i32
        %get3A_321 = arith.index_cast %add3A_320 : i32 to index
        %get3A_322 = tpu.vector_load %arg4[%get3A_321] {strides = array<i32>} : memref<5120xi32, #tpu.memory_space<vmem>>, vector<16xi32>,
        %gt3A_323 = arith.cmpi sgt, %get3A_322, %select_n3A_310 : vector<16xi32>
        %select_n3A_324 = arith.select %gt3A_323, %get3A_322, %select_n3A_310 : vector<16xi1>, vector<16xi32>
        %mul3A_325 = arith.constant 16 : i32
        %mul3A_326 = arith.muli %select_n3A_243, %mul3A_325 : i32
        %add3A_327 = arith.constant 5 : i32
        %add3A_328 = arith.addi %mul3A_326, %add3A_327 : i32
        %broadcast_in_dim3A_329 = vector.broadcast %add3A_328 : i32 to vector<16xi32>
        %select_n3A_330 = arith.select %gt3A_323, %broadcast_in_dim3A_329, %select_n3A_316 : vector<16xi1>, vector<16xi32>
        %mul3A_331 = arith.constant 256 : i32
        %mul3A_332 = arith.muli %select_n3A_243, %mul3A_331 : i32
        %add3A_333 = arith.constant 96 : i32
        %add3A_334 = arith.addi %mul3A_332, %add3A_333 : i32
        %get3A_335 = arith.index_cast %add3A_334 : i32 to index
        %get3A_336 = tpu.vector_load %arg4[%get3A_335] {strides = array<i32>} : memref<5120xi32, #tpu.memory_space<vmem>>, vector<16xi32>,
        %gt3A_337 = arith.cmpi sgt, %get3A_336, %select_n3A_324 : vector<16xi32>
        %select_n3A_338 = arith.select %gt3A_337, %get3A_336, %select_n3A_324 : vector<16xi1>, vector<16xi32>
        %mul3A_339 = arith.constant 16 : i32
        %mul3A_340 = arith.muli %select_n3A_243, %mul3A_339 : i32
        %add3A_341 = arith.constant 6 : i32
        %add3A_342 = arith.addi %mul3A_340, %add3A_341 : i32
        %broadcast_in_dim3A_343 = vector.broadcast %add3A_342 : i32 to vector<16xi32>
        %select_n3A_344 = arith.select %gt3A_337, %broadcast_in_dim3A_343, %select_n3A_330 : vector<16xi1>, vector<16xi32>
        %mul3A_345 = arith.constant 256 : i32
        %mul3A_346 = arith.muli %select_n3A_243, %mul3A_345 : i32
        %add3A_347 = arith.constant 112 : i32
        %add3A_348 = arith.addi %mul3A_346, %add3A_347 : i32
        %get3A_349 = arith.index_cast %add3A_348 : i32 to index
        %get3A_350 = tpu.vector_load %arg4[%get3A_349] {strides = array<i32>} : memref<5120xi32, #tpu.memory_space<vmem>>, vector<16xi32>,
        %gt3A_351 = arith.cmpi sgt, %get3A_350, %select_n3A_338 : vector<16xi32>
        %select_n3A_352 = arith.select %gt3A_351, %get3A_350, %select_n3A_338 : vector<16xi1>, vector<16xi32>
        %mul3A_353 = arith.constant 16 : i32
        %mul3A_354 = arith.muli %select_n3A_243, %mul3A_353 : i32
        %add3A_355 = arith.constant 7 : i32
        %add3A_356 = arith.addi %mul3A_354, %add3A_355 : i32
        %broadcast_in_dim3A_357 = vector.broadcast %add3A_356 : i32 to vector<16xi32>
        %select_n3A_358 = arith.select %gt3A_351, %broadcast_in_dim3A_357, %select_n3A_344 : vector<16xi1>, vector<16xi32>
        %mul3A_359 = arith.constant 256 : i32
        %mul3A_360 = arith.muli %select_n3A_243, %mul3A_359 : i32
        %add3A_361 = arith.constant 128 : i32
        %add3A_362 = arith.addi %mul3A_360, %add3A_361 : i32
        %get3A_363 = arith.index_cast %add3A_362 : i32 to index
        %get3A_364 = tpu.vector_load %arg4[%get3A_363] {strides = array<i32>} : memref<5120xi32, #tpu.memory_space<vmem>>, vector<16xi32>,
        %gt3A_365 = arith.cmpi sgt, %get3A_364, %select_n3A_352 : vector<16xi32>
        %select_n3A_366 = arith.select %gt3A_365, %get3A_364, %select_n3A_352 : vector<16xi1>, vector<16xi32>
        %mul3A_367 = arith.constant 16 : i32
        %mul3A_368 = arith.muli %select_n3A_243, %mul3A_367 : i32
        %add3A_369 = arith.constant 8 : i32
        %add3A_370 = arith.addi %mul3A_368, %add3A_369 : i32
        %broadcast_in_dim3A_371 = vector.broadcast %add3A_370 : i32 to vector<16xi32>
        %select_n3A_372 = arith.select %gt3A_365, %broadcast_in_dim3A_371, %select_n3A_358 : vector<16xi1>, vector<16xi32>
        %mul3A_373 = arith.constant 256 : i32
        %mul3A_374 = arith.muli %select_n3A_243, %mul3A_373 : i32
        %add3A_375 = arith.constant 144 : i32
        %add3A_376 = arith.addi %mul3A_374, %add3A_375 : i32
        %get3A_377 = arith.index_cast %add3A_376 : i32 to index
        %get3A_378 = tpu.vector_load %arg4[%get3A_377] {strides = array<i32>} : memref<5120xi32, #tpu.memory_space<vmem>>, vector<16xi32>,
        %gt3A_379 = arith.cmpi sgt, %get3A_378, %select_n3A_366 : vector<16xi32>
        %select_n3A_380 = arith.select %gt3A_379, %get3A_378, %select_n3A_366 : vector<16xi1>, vector<16xi32>
        %mul3A_381 = arith.constant 16 : i32
        %mul3A_382 = arith.muli %select_n3A_243, %mul3A_381 : i32
        %add3A_383 = arith.constant 9 : i32
        %add3A_384 = arith.addi %mul3A_382, %add3A_383 : i32
        %broadcast_in_dim3A_385 = vector.broadcast %add3A_384 : i32 to vector<16xi32>
        %select_n3A_386 = arith.select %gt3A_379, %broadcast_in_dim3A_385, %select_n3A_372 : vector<16xi1>, vector<16xi32>
        %mul3A_387 = arith.constant 256 : i32
        %mul3A_388 = arith.muli %select_n3A_243, %mul3A_387 : i32
        %add3A_389 = arith.constant 160 : i32
        %add3A_390 = arith.addi %mul3A_388, %add3A_389 : i32
        %get3A_391 = arith.index_cast %add3A_390 : i32 to index
        %get3A_392 = tpu.vector_load %arg4[%get3A_391] {strides = array<i32>} : memref<5120xi32, #tpu.memory_space<vmem>>, vector<16xi32>,
        %gt3A_393 = arith.cmpi sgt, %get3A_392, %select_n3A_380 : vector<16xi32>
        %select_n3A_394 = arith.select %gt3A_393, %get3A_392, %select_n3A_380 : vector<16xi1>, vector<16xi32>
        %mul3A_395 = arith.constant 16 : i32
        %mul3A_396 = arith.muli %select_n3A_243, %mul3A_395 : i32
        %add3A_397 = arith.constant 10 : i32
        %add3A_398 = arith.addi %mul3A_396, %add3A_397 : i32
        %broadcast_in_dim3A_399 = vector.broadcast %add3A_398 : i32 to vector<16xi32>
        %select_n3A_400 = arith.select %gt3A_393, %broadcast_in_dim3A_399, %select_n3A_386 : vector<16xi1>, vector<16xi32>
        %mul3A_401 = arith.constant 256 : i32
        %mul3A_402 = arith.muli %select_n3A_243, %mul3A_401 : i32
        %add3A_403 = arith.constant 176 : i32
        %add3A_404 = arith.addi %mul3A_402, %add3A_403 : i32
        %get3A_405 = arith.index_cast %add3A_404 : i32 to index
        %get3A_406 = tpu.vector_load %arg4[%get3A_405] {strides = array<i32>} : memref<5120xi32, #tpu.memory_space<vmem>>, vector<16xi32>,
        %gt3A_407 = arith.cmpi sgt, %get3A_406, %select_n3A_394 : vector<16xi32>
        %select_n3A_408 = arith.select %gt3A_407, %get3A_406, %select_n3A_394 : vector<16xi1>, vector<16xi32>
        %mul3A_409 = arith.constant 16 : i32
        %mul3A_410 = arith.muli %select_n3A_243, %mul3A_409 : i32
        %add3A_411 = arith.constant 11 : i32
        %add3A_412 = arith.addi %mul3A_410, %add3A_411 : i32
        %broadcast_in_dim3A_413 = vector.broadcast %add3A_412 : i32 to vector<16xi32>
        %select_n3A_414 = arith.select %gt3A_407, %broadcast_in_dim3A_413, %select_n3A_400 : vector<16xi1>, vector<16xi32>
        %mul3A_415 = arith.constant 256 : i32
        %mul3A_416 = arith.muli %select_n3A_243, %mul3A_415 : i32
        %add3A_417 = arith.constant 192 : i32
        %add3A_418 = arith.addi %mul3A_416, %add3A_417 : i32
        %get3A_419 = arith.index_cast %add3A_418 : i32 to index
        %get3A_420 = tpu.vector_load %arg4[%get3A_419] {strides = array<i32>} : memref<5120xi32, #tpu.memory_space<vmem>>, vector<16xi32>,
        %gt3A_421 = arith.cmpi sgt, %get3A_420, %select_n3A_408 : vector<16xi32>
        %select_n3A_422 = arith.select %gt3A_421, %get3A_420, %select_n3A_408 : vector<16xi1>, vector<16xi32>
        %mul3A_423 = arith.constant 16 : i32
        %mul3A_424 = arith.muli %select_n3A_243, %mul3A_423 : i32
        %add3A_425 = arith.constant 12 : i32
        %add3A_426 = arith.addi %mul3A_424, %add3A_425 : i32
        %broadcast_in_dim3A_427 = vector.broadcast %add3A_426 : i32 to vector<16xi32>
        %select_n3A_428 = arith.select %gt3A_421, %broadcast_in_dim3A_427, %select_n3A_414 : vector<16xi1>, vector<16xi32>
        %mul3A_429 = arith.constant 256 : i32
        %mul3A_430 = arith.muli %select_n3A_243, %mul3A_429 : i32
        %add3A_431 = arith.constant 208 : i32
        %add3A_432 = arith.addi %mul3A_430, %add3A_431 : i32
        %get3A_433 = arith.index_cast %add3A_432 : i32 to index
        %get3A_434 = tpu.vector_load %arg4[%get3A_433] {strides = array<i32>} : memref<5120xi32, #tpu.memory_space<vmem>>, vector<16xi32>,
        %gt3A_435 = arith.cmpi sgt, %get3A_434, %select_n3A_422 : vector<16xi32>
        %select_n3A_436 = arith.select %gt3A_435, %get3A_434, %select_n3A_422 : vector<16xi1>, vector<16xi32>
        %mul3A_437 = arith.constant 16 : i32
        %mul3A_438 = arith.muli %select_n3A_243, %mul3A_437 : i32
        %add3A_439 = arith.constant 13 : i32
        %add3A_440 = arith.addi %mul3A_438, %add3A_439 : i32
        %broadcast_in_dim3A_441 = vector.broadcast %add3A_440 : i32 to vector<16xi32>
        %select_n3A_442 = arith.select %gt3A_435, %broadcast_in_dim3A_441, %select_n3A_428 : vector<16xi1>, vector<16xi32>
        %mul3A_443 = arith.constant 256 : i32
        %mul3A_444 = arith.muli %select_n3A_243, %mul3A_443 : i32
        %add3A_445 = arith.constant 224 : i32
        %add3A_446 = arith.addi %mul3A_444, %add3A_445 : i32
        %get3A_447 = arith.index_cast %add3A_446 : i32 to index
        %get3A_448 = tpu.vector_load %arg4[%get3A_447] {strides = array<i32>} : memref<5120xi32, #tpu.memory_space<vmem>>, vector<16xi32>,
        %gt3A_449 = arith.cmpi sgt, %get3A_448, %select_n3A_436 : vector<16xi32>
        %select_n3A_450 = arith.select %gt3A_449, %get3A_448, %select_n3A_436 : vector<16xi1>, vector<16xi32>
        %mul3A_451 = arith.constant 16 : i32
        %mul3A_452 = arith.muli %select_n3A_243, %mul3A_451 : i32
        %add3A_453 = arith.constant 14 : i32
        %add3A_454 = arith.addi %mul3A_452, %add3A_453 : i32
        %broadcast_in_dim3A_455 = vector.broadcast %add3A_454 : i32 to vector<16xi32>
        %select_n3A_456 = arith.select %gt3A_449, %broadcast_in_dim3A_455, %select_n3A_442 : vector<16xi1>, vector<16xi32>
        %mul3A_457 = arith.constant 256 : i32
        %mul3A_458 = arith.muli %select_n3A_243, %mul3A_457 : i32
        %add3A_459 = arith.constant 240 : i32
        %add3A_460 = arith.addi %mul3A_458, %add3A_459 : i32
        %get3A_461 = arith.index_cast %add3A_460 : i32 to index
        %get3A_462 = tpu.vector_load %arg4[%get3A_461] {strides = array<i32>} : memref<5120xi32, #tpu.memory_space<vmem>>, vector<16xi32>,
        %gt3A_463 = arith.cmpi sgt, %get3A_462, %select_n3A_450 : vector<16xi32>
        %select_n3A_464 = arith.select %gt3A_463, %get3A_462, %select_n3A_450 : vector<16xi1>, vector<16xi32>
        %mul3A_465 = arith.constant 16 : i32
        %mul3A_466 = arith.muli %select_n3A_243, %mul3A_465 : i32
        %add3A_467 = arith.constant 15 : i32
        %add3A_468 = arith.addi %mul3A_466, %add3A_467 : i32
        %broadcast_in_dim3A_469 = vector.broadcast %add3A_468 : i32 to vector<16xi32>
        %select_n3A_470 = arith.select %gt3A_463, %broadcast_in_dim3A_469, %select_n3A_456 : vector<16xi1>, vector<16xi32>
        %mul3A_471 = arith.constant 16 : i32
        %mul3A_472 = arith.muli %select_n3A_243, %mul3A_471 : i32
        %swap3A_473 = arith.index_cast %mul3A_472 : i32 to index
        %swap3A_474 = tpu.vector_load %arg10[%swap3A_473] {strides = array<i32>} : memref<320xi32, #tpu.memory_space<vmem>>, vector<16xi32>,
        tpu.vector_store %arg10[%swap3A_473], %select_n3A_464 {strides = array<i32>} : memref<320xi32, #tpu.memory_space<vmem>>, vector<16xi32>,
        %mul3A_475 = arith.constant 16 : i32
        %mul3A_476 = arith.muli %select_n3A_243, %mul3A_475 : i32
        %swap3A_477 = arith.index_cast %mul3A_476 : i32 to index
        %swap3A_478 = tpu.vector_load %arg11[%swap3A_477] {strides = array<i32>} : memref<320xi32, #tpu.memory_space<vmem>>, vector<16xi32>,
        tpu.vector_store %arg11[%swap3A_477], %select_n3A_470 {strides = array<i32>} : memref<320xi32, #tpu.memory_space<vmem>>, vector<16xi32>,
        %broadcast_in_dim3A_479 = vector.broadcast %scan3A_155 : i32 to vector<16xi32>
        %add3A_480 = arith.constant 0 : i32
        %add3A_481 = vector.broadcast %add3A_480 : i32 to vector<16xi32>
        %add3A_482 = arith.addi %add3A_481, %broadcast_in_dim3A_479 : vector<16xi32>
        %gather3A_483 = tpu.vector_load_idx %arg5[%select_n3A_220] : memref<5120xi32, #tpu.memory_space<vmem>>[vector<16xi32>], vector<16xi32>,
        tpu.vector_store_idx %arg9[%add3A_482], %gather3A_483 masked %eq3A_223 : memref<448xi32, #tpu.memory_space<vmem>>[vector<16xi32>], vector<16xi32>, vector<16xi1>
        %add3A_484 = arith.constant 112 : i32
        %add3A_485 = vector.broadcast %add3A_484 : i32 to vector<16xi32>
        %add3A_486 = arith.addi %add3A_485, %broadcast_in_dim3A_479 : vector<16xi32>
        %gather3A_487 = tpu.vector_load_idx %arg6[%select_n3A_220] : memref<5120xi32, #tpu.memory_space<vmem>>[vector<16xi32>], vector<16xi32>,
        tpu.vector_store_idx %arg9[%add3A_486], %gather3A_487 masked %eq3A_223 : memref<448xi32, #tpu.memory_space<vmem>>[vector<16xi32>], vector<16xi32>, vector<16xi1>
        %add3A_488 = arith.constant 224 : i32
        %add3A_489 = vector.broadcast %add3A_488 : i32 to vector<16xi32>
        %add3A_490 = arith.addi %add3A_489, %broadcast_in_dim3A_479 : vector<16xi32>
        %gather3A_491 = tpu.vector_load_idx %arg7[%select_n3A_220] : memref<5120xi32, #tpu.memory_space<vmem>>[vector<16xi32>], vector<16xi32>,
        tpu.vector_store_idx %arg9[%add3A_490], %gather3A_491 masked %eq3A_223 : memref<448xi32, #tpu.memory_space<vmem>>[vector<16xi32>], vector<16xi32>, vector<16xi1>
        %add3A_492 = arith.constant 336 : i32
        %add3A_493 = vector.broadcast %add3A_492 : i32 to vector<16xi32>
        %add3A_494 = arith.addi %add3A_493, %broadcast_in_dim3A_479 : vector<16xi32>
        %gather3A_495 = tpu.vector_load_idx %arg8[%select_n3A_220] : memref<5120xi32, #tpu.memory_space<vmem>>[vector<16xi32>], vector<16xi32>,
        tpu.vector_store_idx %arg9[%add3A_494], %gather3A_495 masked %eq3A_223 : memref<448xi32, #tpu.memory_space<vmem>>[vector<16xi32>], vector<16xi32>, vector<16xi1>
      }
      %scan3A_150 = arith.constant 100 : i32
      %mul3A_151 = arith.constant 4 : i32
      %mul3A_152 = arith.muli %arg0, %mul3A_151 : i32
      %mul3A_153 = arith.constant 112 : i32
      %mul3A_154 = arith.muli %mul3A_152, %mul3A_153 : i32
      "tpu.region"() ({
        %run_scoped3A = tpu.sem_alloc : memref<!tpu.dma_semaphore, #tpu.memory_space<semaphore_mem>>
        %dma_start3A = tpu.memref_slice %arg3[%mul3A_154] : memref<896xi32, #tpu.memory_space<hbm>> -> memref<448xi32, #tpu.memory_space<hbm>>
        %dma_start3A_155 = tpu.memref_slice %arg3[%mul3A_154] : memref<896xi32, #tpu.memory_space<hbm>> -> memref<448xi32, #tpu.memory_space<hbm>>
        tpu.enqueue_dma source(%arg9 : memref<448xi32, #tpu.memory_space<vmem>>) target(%dma_start3A_155 : memref<448xi32, #tpu.memory_space<hbm>>) target_semaphore(%run_scoped3A : memref<!tpu.dma_semaphore, #tpu.memory_space<semaphore_mem>>)
        %dma_wait3A = tpu.memref_slice %arg3[%mul3A_154] : memref<896xi32, #tpu.memory_space<hbm>> -> memref<448xi32, #tpu.memory_space<hbm>>
        %dma_wait3A_156 = tpu.memref_slice %arg3[%mul3A_154] : memref<896xi32, #tpu.memory_space<hbm>> -> memref<448xi32, #tpu.memory_space<hbm>>
        tpu.wait_dma2 semaphore(%run_scoped3A : memref<!tpu.dma_semaphore, #tpu.memory_space<semaphore_mem>>) src(%arg9 : memref<448xi32, #tpu.memory_space<vmem>>) dst(%dma_wait3A_156 : memref<448xi32, #tpu.memory_space<hbm>>)
        tpu.yield
      }) : () -> ()
    } else {
    }
    return
  }
}

module attributes {stable_mosaic.version = 14 : i64} {
  func.func @_score_kernel(%arg0: i32, %arg1: i32, %arg2: memref<1x208x1280xf32, #tpu.memory_space<vmem>>, %arg3: memref<1x1x1280xf32, #tpu.memory_space<vmem>>, %arg4: memref<1x1x1280xi32, #tpu.memory_space<vmem>>) attributes {dimension_semantics = [#tpu.dimension_semantics<arbitrary>, #tpu.dimension_semantics<arbitrary>], iteration_bounds = array<i64: 2, 4>, scalar_prefetch = 0 : i64, scratch_operands = 0 : i64, tpu.core_type = #tpu.core_type<tc>, window_params = [{transform_indices = @transform_0, window_bounds = array<i64: 1, 208, 1280>}, {transform_indices = @transform_1, window_bounds = array<i64: 1, 1, 1280>}, {transform_indices = @transform_2, window_bounds = array<i64: 1, 1, 1280>}]} {
    %get3A = arith.constant 0 : index
    %get3A_0 = arith.constant 0 : index
    %get3A_1 = arith.constant 0 : index
    %get3A_2 = vector.load %arg2[%get3A, %get3A_0, %get3A_1] : memref<1x208x1280xf32, #tpu.memory_space<vmem>>, vector<1x208x1280xf32>
    %iota3A = tpu.iota {dimensions = array<i32: 1>} : vector<1x208x1280xi32>
    %reduce_max3A = arith.constant dense<0xFF800000> : vector<1x1280xf32>
    %reduce_max3A_3 = vector.multi_reduction <maximumf>, %get3A_2, %reduce_max3A [1] : vector<1x208x1280xf32> to vector<1x1280xf32>
    %broadcast_in_dim3A = vector.shape_cast %reduce_max3A_3 : vector<1x1280xf32> to vector<1x1x1280xf32>
    %sub3A = vector.broadcast %broadcast_in_dim3A : vector<1x1x1280xf32> to vector<1x208x1280xf32>
    %sub3A_4 = arith.subf %get3A_2, %sub3A : vector<1x208x1280xf32>
    %exp3A = math.exp %sub3A_4 : vector<1x208x1280xf32>
    %reduce_sum3A = arith.constant dense<0.000000e+00> : vector<1x1280xf32>
    %reduce_sum3A_5 = vector.multi_reduction <add>, %exp3A, %reduce_sum3A [1] : vector<1x208x1280xf32> to vector<1x1280xf32>
    %broadcast_in_dim3A_6 = vector.shape_cast %reduce_sum3A_5 : vector<1x1280xf32> to vector<1x1x1280xf32>
    %lt3A = arith.constant 200 : i32
    %lt3A_7 = vector.broadcast %lt3A : i32 to vector<1x208x1280xi32>
    %lt3A_8 = arith.cmpi slt, %iota3A, %lt3A_7 : vector<1x208x1280xi32>
    %jit3A = arith.constant -1.000000e+30 : f32
    %broadcast_in_dim3A_9 = vector.broadcast %jit3A : f32 to vector<1x208x1280xf32>
    %select_n3A = arith.select %lt3A_8, %get3A_2, %broadcast_in_dim3A_9 : vector<1x208x1280xi1>, vector<1x208x1280xf32>
    %reduce_max3A_10 = arith.constant dense<0xFF800000> : vector<1x1280xf32>
    %reduce_max3A_11 = vector.multi_reduction <maximumf>, %select_n3A, %reduce_max3A_10 [1] : vector<1x208x1280xf32> to vector<1x1280xf32>
    %broadcast_in_dim3A_12 = vector.shape_cast %reduce_max3A_11 : vector<1x1280xf32> to vector<1x1x1280xf32>
    %sub3A_13 = arith.subf %broadcast_in_dim3A_12, %broadcast_in_dim3A : vector<1x1x1280xf32>
    %exp3A_14 = math.exp %sub3A_13 : vector<1x1x1280xf32>
    %div3A = arith.divf %exp3A_14, %broadcast_in_dim3A_6 : vector<1x1x1280xf32>
    %eq3A = vector.broadcast %broadcast_in_dim3A_12 : vector<1x1x1280xf32> to vector<1x208x1280xf32>
    %eq3A_15 = arith.cmpf oeq, %select_n3A, %eq3A : vector<1x208x1280xf32>
    %lt3A_16 = arith.constant 200 : i32
    %lt3A_17 = vector.broadcast %lt3A_16 : i32 to vector<1x208x1280xi32>
    %lt3A_18 = arith.cmpi slt, %iota3A, %lt3A_17 : vector<1x208x1280xi32>
    %and3A = arith.andi %eq3A_15, %lt3A_18 : vector<1x208x1280xi1>
    %jit3A_19 = arith.constant 256 : i32
    %broadcast_in_dim3A_20 = vector.broadcast %jit3A_19 : i32 to vector<1x208x1280xi32>
    %select_n3A_21 = arith.select %and3A, %iota3A, %broadcast_in_dim3A_20 : vector<1x208x1280xi1>, vector<1x208x1280xi32>
    %reduce_min3A = arith.constant dense<2147483647> : vector<1x1280xi32>
    %reduce_min3A_22 = vector.multi_reduction <minsi>, %select_n3A_21, %reduce_min3A [1] : vector<1x208x1280xi32> to vector<1x1280xi32>
    %broadcast_in_dim3A_23 = vector.shape_cast %reduce_min3A_22 : vector<1x1280xi32> to vector<1x1x1280xi32>
    %mul3A = arith.constant 1280 : i32
    %mul3A_24 = arith.muli %arg1, %mul3A : i32
    %iota3A_25 = tpu.iota {dimensions = array<i32: 2>} : vector<1x1x1280xi32>
    %add3A = vector.broadcast %mul3A_24 : i32 to vector<1x1x1280xi32>
    %add3A_26 = arith.addi %add3A, %iota3A_25 : vector<1x1x1280xi32>
    %lt3A_27 = arith.constant 5000 : i32
    %lt3A_28 = vector.broadcast %lt3A_27 : i32 to vector<1x1x1280xi32>
    %lt3A_29 = arith.cmpi slt, %add3A_26, %lt3A_28 : vector<1x1x1280xi32>
    %jit3A_30 = arith.constant -1.000000e+30 : f32
    %broadcast_in_dim3A_31 = vector.broadcast %jit3A_30 : f32 to vector<1x1x1280xf32>
    %select_n3A_32 = arith.select %lt3A_29, %div3A, %broadcast_in_dim3A_31 : vector<1x1x1280xi1>, vector<1x1x1280xf32>
    %swap3A = arith.constant 0 : index
    %swap3A_33 = arith.constant 0 : index
    %swap3A_34 = arith.constant 0 : index
    %swap3A_35 = vector.load %arg3[%swap3A, %swap3A_33, %swap3A_34] : memref<1x1x1280xf32, #tpu.memory_space<vmem>>, vector<1x1x1280xf32>
    tpu.vector_store %arg3[%swap3A, %swap3A_33, %swap3A_34], %select_n3A_32 {strides = array<i32>} : memref<1x1x1280xf32, #tpu.memory_space<vmem>>, vector<1x1x1280xf32>,
    %jit3A_36 = arith.constant 0 : i32
    %broadcast_in_dim3A_37 = vector.broadcast %jit3A_36 : i32 to vector<1x1x1280xi32>
    %select_n3A_38 = arith.select %lt3A_29, %broadcast_in_dim3A_23, %broadcast_in_dim3A_37 : vector<1x1x1280xi1>, vector<1x1x1280xi32>
    %swap3A_39 = arith.constant 0 : index
    %swap3A_40 = arith.constant 0 : index
    %swap3A_41 = arith.constant 0 : index
    %swap3A_42 = vector.load %arg4[%swap3A_39, %swap3A_40, %swap3A_41] : memref<1x1x1280xi32, #tpu.memory_space<vmem>>, vector<1x1x1280xi32>
    tpu.vector_store %arg4[%swap3A_39, %swap3A_40, %swap3A_41], %select_n3A_38 {strides = array<i32>} : memref<1x1x1280xi32, #tpu.memory_space<vmem>>, vector<1x1x1280xi32>,
    return
  }
  func.func @transform_0(%arg0: i32, %arg1: i32) -> (i32, i32, i32) {
    %c0_i32 = arith.constant 0 : i32
    %c0_i32_0 = arith.constant 0 : i32
    return %arg0, %c0_i32, %arg1 : i32, i32, i32
  }
  func.func @transform_1(%arg0: i32, %arg1: i32) -> (i32, i32, i32) {
    %c0_i32 = arith.constant 0 : i32
    %c0_i32_0 = arith.constant 0 : i32
    return %arg0, %c0_i32, %arg1 : i32, i32, i32
  }
  func.func @transform_2(%arg0: i32, %arg1: i32) -> (i32, i32, i32) {
    %c0_i32 = arith.constant 0 : i32
    %c0_i32_0 = arith.constant 0 : i32
    return %arg0, %c0_i32, %arg1 : i32, i32, i32
  }
}

module attributes {stable_mosaic.version = 14 : i64} {
  func.func @_nms_kernel(%arg0: i32, %arg1: i32, %arg2: memref<1x1x5120xf32, #tpu.memory_space<vmem>>, %arg3: memref<1x1x5120xf32, #tpu.memory_space<vmem>>, %arg4: memref<1x1x5120xf32, #tpu.memory_space<vmem>>, %arg5: memref<1x1x640xf32, #tpu.memory_space<vmem>>, %arg6: memref<1x1x5120xf32, #tpu.memory_space<vmem>>) attributes {dimension_semantics = [#tpu.dimension_semantics<arbitrary>, #tpu.dimension_semantics<arbitrary>], iteration_bounds = array<i64: 2, 8>, scalar_prefetch = 0 : i64, scratch_operands = 0 : i64, tpu.core_type = #tpu.core_type<tc>, window_params = [{transform_indices = @transform_0, window_bounds = array<i64: 1, 1, 5120>}, {transform_indices = @transform_1, window_bounds = array<i64: 1, 1, 5120>}, {transform_indices = @transform_2, window_bounds = array<i64: 1, 1, 5120>}, {transform_indices = @transform_3, window_bounds = array<i64: 1, 1, 640>}, {transform_indices = @transform_4, window_bounds = array<i64: 1, 1, 5120>}]} {
    %mul3A = arith.constant 640 : i32
    %mul3A_0 = arith.muli %arg1, %mul3A : i32
    %get3A = arith.constant 0 : index
    %get3A_1 = arith.constant 0 : index
    %get3A_2 = arith.index_cast %mul3A_0 : i32 to index
    %get3A_3 = vector.load %arg2[%get3A, %get3A_1, %get3A_2] : memref<1x1x5120xf32, #tpu.memory_space<vmem>>, vector<1x1x640xf32>
    %reshape3A = vector.shape_cast %get3A_3 : vector<1x1x640xf32> to vector<1x640x1xf32>
    %get3A_4 = arith.constant 0 : index
    %get3A_5 = arith.constant 0 : index
    %get3A_6 = arith.index_cast %mul3A_0 : i32 to index
    %get3A_7 = vector.load %arg3[%get3A_4, %get3A_5, %get3A_6] : memref<1x1x5120xf32, #tpu.memory_space<vmem>>, vector<1x1x640xf32>
    %reshape3A_8 = vector.shape_cast %get3A_7 : vector<1x1x640xf32> to vector<1x640x1xf32>
    %get3A_9 = arith.constant 0 : index
    %get3A_10 = arith.constant 0 : index
    %get3A_11 = arith.index_cast %mul3A_0 : i32 to index
    %get3A_12 = vector.load %arg4[%get3A_9, %get3A_10, %get3A_11] : memref<1x1x5120xf32, #tpu.memory_space<vmem>>, vector<1x1x640xf32>
    %reshape3A_13 = vector.shape_cast %get3A_12 : vector<1x1x640xf32> to vector<1x640x1xf32>
    %div3A = arith.constant 2.000000e+00 : f32
    %div3A_14 = vector.broadcast %div3A : f32 to vector<1x640x1xf32>
    %div3A_15 = arith.divf %reshape3A_8, %div3A_14 : vector<1x640x1xf32>
    %sub3A = arith.subf %reshape3A, %div3A_15 : vector<1x640x1xf32>
    %div3A_16 = arith.constant 2.000000e+00 : f32
    %div3A_17 = vector.broadcast %div3A_16 : f32 to vector<1x640x1xf32>
    %div3A_18 = arith.divf %reshape3A_8, %div3A_17 : vector<1x640x1xf32>
    %add3A = arith.addf %reshape3A, %div3A_18 : vector<1x640x1xf32>
    %sub3A_19 = arith.subf %add3A, %sub3A : vector<1x640x1xf32>
    %max3A = arith.constant 0.000000e+00 : f32
    %max3A_20 = vector.broadcast %max3A : f32 to vector<1x640x1xf32>
    %max3A_21 = arith.maximumf %sub3A_19, %max3A_20 : vector<1x640x1xf32>
    %iota3A = tpu.iota {dimensions = array<i32: 1>} : vector<1x640x1xi32>
    %add3A_22 = vector.broadcast %mul3A_0 : i32 to vector<1x640x1xi32>
    %add3A_23 = arith.addi %add3A_22, %iota3A : vector<1x640x1xi32>
    %eq3A = arith.constant 0 : i32
    %eq3A_24 = arith.cmpi eq, %arg1, %eq3A : i32
    %convert_element_type3A = arith.extui %eq3A_24 : i1 to i32
    %cond3A = arith.constant 0 : i32
    %cond3A_25 = arith.cmpi ne, %convert_element_type3A, %cond3A : i32
    scf.if %cond3A_25 {
      %broadcast_in_dim3A_43 = arith.constant 0.000000e+00 : f32
      %broadcast_in_dim3A_44 = vector.broadcast %broadcast_in_dim3A_43 : f32 to vector<1x1x5120xf32>
      %swap3A_45 = arith.constant 0 : index
      %swap3A_46 = arith.constant 0 : index
      %swap3A_47 = arith.constant 0 : index
      %swap3A_48 = vector.load %arg6[%swap3A_45, %swap3A_46, %swap3A_47] : memref<1x1x5120xf32, #tpu.memory_space<vmem>>, vector<1x1x5120xf32>
      tpu.vector_store %arg6[%swap3A_45, %swap3A_46, %swap3A_47], %broadcast_in_dim3A_44 {strides = array<i32>} : memref<1x1x5120xf32, #tpu.memory_space<vmem>>, vector<1x1x5120xf32>,
    } else {
    }
    %add3A_26 = arith.constant 1 : i32
    %add3A_27 = arith.addi %arg1, %add3A_26 : i32
    %broadcast_in_dim3A = arith.constant 0.000000e+00 : f32
    %broadcast_in_dim3A_28 = vector.broadcast %broadcast_in_dim3A : f32 to vector<1x640x1xf32>
    %while3A = arith.constant 0 : i32
    %while3A_29 = arith.subi %add3A_27, %while3A : i32
    %while3A_30 = arith.addi %while3A, %while3A_29 : i32
    %while3A_31 = arith.constant 1 : i32
    %while3A_32 = arith.divsi %while3A_29, %while3A_31 : i32
    %while3A_33 = arith.muli %while3A_32, %while3A_31 : i32
    %while3A_34 = arith.addi %while3A, %while3A_33 : i32
    %while3A_35 = arith.constant 1 : i32
    %while3A_36 = scf.for %while3A_43 = %while3A to %while3A_34 step %while3A_35 iter_args(%while3A_44 = %broadcast_in_dim3A_28) -> (vector<1x640x1xf32>)  : i32 {
      %mul3A_45 = arith.constant 640 : i32
      %mul3A_46 = arith.muli %while3A_43, %mul3A_45 : i32
      %get3A_47 = arith.constant 0 : index
      %get3A_48 = arith.constant 0 : index
      %get3A_49 = arith.index_cast %mul3A_46 : i32 to index
      %get3A_50 = vector.load %arg2[%get3A_47, %get3A_48, %get3A_49] : memref<1x1x5120xf32, #tpu.memory_space<vmem>>, vector<1x1x640xf32>
      %mul3A_51 = arith.constant 640 : i32
      %mul3A_52 = arith.muli %while3A_43, %mul3A_51 : i32
      %get3A_53 = arith.constant 0 : index
      %get3A_54 = arith.constant 0 : index
      %get3A_55 = arith.index_cast %mul3A_52 : i32 to index
      %get3A_56 = vector.load %arg3[%get3A_53, %get3A_54, %get3A_55] : memref<1x1x5120xf32, #tpu.memory_space<vmem>>, vector<1x1x640xf32>
      %mul3A_57 = arith.constant 640 : i32
      %mul3A_58 = arith.muli %while3A_43, %mul3A_57 : i32
      %get3A_59 = arith.constant 0 : index
      %get3A_60 = arith.constant 0 : index
      %get3A_61 = arith.index_cast %mul3A_58 : i32 to index
      %get3A_62 = vector.load %arg4[%get3A_59, %get3A_60, %get3A_61] : memref<1x1x5120xf32, #tpu.memory_space<vmem>>, vector<1x1x640xf32>
      %div3A_63 = arith.constant 2.000000e+00 : f32
      %div3A_64 = vector.broadcast %div3A_63 : f32 to vector<1x1x640xf32>
      %div3A_65 = arith.divf %get3A_56, %div3A_64 : vector<1x1x640xf32>
      %sub3A_66 = arith.subf %get3A_50, %div3A_65 : vector<1x1x640xf32>
      %div3A_67 = arith.constant 2.000000e+00 : f32
      %div3A_68 = vector.broadcast %div3A_67 : f32 to vector<1x1x640xf32>
      %div3A_69 = arith.divf %get3A_56, %div3A_68 : vector<1x1x640xf32>
      %add3A_70 = arith.addf %get3A_50, %div3A_69 : vector<1x1x640xf32>
      %sub3A_71 = arith.subf %add3A_70, %sub3A_66 : vector<1x1x640xf32>
      %max3A_72 = arith.constant 0.000000e+00 : f32
      %max3A_73 = vector.broadcast %max3A_72 : f32 to vector<1x1x640xf32>
      %max3A_74 = arith.maximumf %sub3A_71, %max3A_73 : vector<1x1x640xf32>
      %mul3A_75 = arith.constant 640 : i32
      %mul3A_76 = arith.muli %while3A_43, %mul3A_75 : i32
      %iota3A_77 = tpu.iota {dimensions = array<i32: 2>} : vector<1x1x640xi32>
      %add3A_78 = vector.broadcast %mul3A_76 : i32 to vector<1x1x640xi32>
      %add3A_79 = arith.addi %add3A_78, %iota3A_77 : vector<1x1x640xi32>
      %min3A = vector.broadcast %add3A : vector<1x640x1xf32> to vector<1x640x640xf32>
      %min3A_80 = vector.broadcast %add3A_70 : vector<1x1x640xf32> to vector<1x640x640xf32>
      %min3A_81 = arith.minimumf %min3A, %min3A_80 : vector<1x640x640xf32>
      %max3A_82 = vector.broadcast %sub3A : vector<1x640x1xf32> to vector<1x640x640xf32>
      %max3A_83 = vector.broadcast %sub3A_66 : vector<1x1x640xf32> to vector<1x640x640xf32>
      %max3A_84 = arith.maximumf %max3A_82, %max3A_83 : vector<1x640x640xf32>
      %sub3A_85 = arith.subf %min3A_81, %max3A_84 : vector<1x640x640xf32>
      %max3A_86 = arith.constant 0.000000e+00 : f32
      %max3A_87 = vector.broadcast %max3A_86 : f32 to vector<1x640x640xf32>
      %max3A_88 = arith.maximumf %max3A_87, %sub3A_85 : vector<1x640x640xf32>
      %add3A_89 = vector.broadcast %max3A_21 : vector<1x640x1xf32> to vector<1x640x640xf32>
      %add3A_90 = vector.broadcast %max3A_74 : vector<1x1x640xf32> to vector<1x640x640xf32>
      %add3A_91 = arith.addf %add3A_89, %add3A_90 : vector<1x640x640xf32>
      %sub3A_92 = arith.subf %add3A_91, %max3A_88 : vector<1x640x640xf32>
      %max3A_93 = arith.constant 9.99999993E-9 : f32
      %max3A_94 = vector.broadcast %max3A_93 : f32 to vector<1x640x640xf32>
      %max3A_95 = arith.maximumf %sub3A_92, %max3A_94 : vector<1x640x640xf32>
      %div3A_96 = arith.divf %max3A_88, %max3A_95 : vector<1x640x640xf32>
      %gt3A = arith.constant 5.000000e-01 : f32
      %gt3A_97 = vector.broadcast %gt3A : f32 to vector<1x640x640xf32>
      %gt3A_98 = arith.cmpf ogt, %div3A_96, %gt3A_97 : vector<1x640x640xf32>
      %gt3A_99 = vector.broadcast %get3A_62 : vector<1x1x640xf32> to vector<1x640x640xf32>
      %gt3A_100 = vector.broadcast %reshape3A_13 : vector<1x640x1xf32> to vector<1x640x640xf32>
      %gt3A_101 = arith.cmpf ogt, %gt3A_99, %gt3A_100 : vector<1x640x640xf32>
      %eq3A_102 = vector.broadcast %get3A_62 : vector<1x1x640xf32> to vector<1x640x640xf32>
      %eq3A_103 = vector.broadcast %reshape3A_13 : vector<1x640x1xf32> to vector<1x640x640xf32>
      %eq3A_104 = arith.cmpf oeq, %eq3A_102, %eq3A_103 : vector<1x640x640xf32>
      %lt3A = vector.broadcast %add3A_79 : vector<1x1x640xi32> to vector<1x640x640xi32>
      %lt3A_105 = vector.broadcast %add3A_23 : vector<1x640x1xi32> to vector<1x640x640xi32>
      %lt3A_106 = arith.cmpi slt, %lt3A, %lt3A_105 : vector<1x640x640xi32>
      %and3A = arith.andi %eq3A_104, %lt3A_106 : vector<1x640x640xi1>
      %or3A = arith.ori %gt3A_101, %and3A : vector<1x640x640xi1>
      %and3A_107 = arith.andi %gt3A_98, %or3A : vector<1x640x640xi1>
      %not3A = arith.constant dense<true> : vector<1x640x640xi1>
      %not3A_108 = arith.xori %or3A, %not3A : vector<1x640x640xi1>
      %and3A_109 = arith.andi %gt3A_98, %not3A_108 : vector<1x640x640xi1>
      %ne3A = vector.broadcast %add3A_23 : vector<1x640x1xi32> to vector<1x640x640xi32>
      %ne3A_110 = vector.broadcast %add3A_79 : vector<1x1x640xi32> to vector<1x640x640xi32>
      %ne3A_111 = arith.cmpi ne, %ne3A, %ne3A_110 : vector<1x640x640xi32>
      %and3A_112 = arith.andi %and3A_109, %ne3A_111 : vector<1x640x640xi1>
      %jit3A = arith.constant 1.000000e+00 : f32
      %jit3A_113 = arith.constant 0.000000e+00 : f32
      %broadcast_in_dim3A_114 = vector.broadcast %jit3A : f32 to vector<1x640x640xf32>
      %broadcast_in_dim3A_115 = vector.broadcast %jit3A_113 : f32 to vector<1x640x640xf32>
      %select_n3A = arith.select %and3A_112, %broadcast_in_dim3A_114, %broadcast_in_dim3A_115 : vector<1x640x640xi1>, vector<1x640x640xf32>
      %reduce_max3A = arith.constant dense<0xFF800000> : vector<1x640xf32>
      %reduce_max3A_116 = vector.multi_reduction <maximumf>, %select_n3A, %reduce_max3A [1] : vector<1x640x640xf32> to vector<1x640xf32>
      %broadcast_in_dim3A_117 = vector.shape_cast %reduce_max3A_116 : vector<1x640xf32> to vector<1x1x640xf32>
      %mul3A_118 = arith.constant 640 : i32
      %mul3A_119 = arith.muli %while3A_43, %mul3A_118 : i32
      %get3A_120 = arith.constant 0 : index
      %get3A_121 = arith.constant 0 : index
      %get3A_122 = arith.index_cast %mul3A_119 : i32 to index
      %get3A_123 = vector.load %arg6[%get3A_120, %get3A_121, %get3A_122] : memref<1x1x5120xf32, #tpu.memory_space<vmem>>, vector<1x1x640xf32>
      %max3A_124 = arith.maximumf %get3A_123, %broadcast_in_dim3A_117 : vector<1x1x640xf32>
      %mul3A_125 = arith.constant 640 : i32
      %mul3A_126 = arith.muli %while3A_43, %mul3A_125 : i32
      %swap3A_127 = arith.constant 0 : index
      %swap3A_128 = arith.constant 0 : index
      %swap3A_129 = arith.index_cast %mul3A_126 : i32 to index
      %swap3A_130 = vector.load %arg6[%swap3A_127, %swap3A_128, %swap3A_129] : memref<1x1x5120xf32, #tpu.memory_space<vmem>>, vector<1x1x640xf32>
      tpu.vector_store %arg6[%swap3A_127, %swap3A_128, %swap3A_129], %max3A_124 {strides = array<i32>} : memref<1x1x5120xf32, #tpu.memory_space<vmem>>, vector<1x1x640xf32>,
      %jit3A_131 = arith.constant 1.000000e+00 : f32
      %jit3A_132 = arith.constant 0.000000e+00 : f32
      %broadcast_in_dim3A_133 = vector.broadcast %jit3A_131 : f32 to vector<1x640x640xf32>
      %broadcast_in_dim3A_134 = vector.broadcast %jit3A_132 : f32 to vector<1x640x640xf32>
      %select_n3A_135 = arith.select %and3A_107, %broadcast_in_dim3A_133, %broadcast_in_dim3A_134 : vector<1x640x640xi1>, vector<1x640x640xf32>
      %reduce_max3A_136 = arith.constant dense<0xFF800000> : vector<1x640xf32>
      %reduce_max3A_137 = vector.multi_reduction <maximumf>, %select_n3A_135, %reduce_max3A_136 [2] : vector<1x640x640xf32> to vector<1x640xf32>
      %broadcast_in_dim3A_138 = vector.shape_cast %reduce_max3A_137 : vector<1x640xf32> to vector<1x640x1xf32>
      %max3A_139 = arith.maximumf %while3A_44, %broadcast_in_dim3A_138 : vector<1x640x1xf32>
      scf.yield %max3A_139 : vector<1x640x1xf32>
    }
    %while3A_37 = arith.constant 1 : i32
    %while3A_38 = scf.for %while3A_43 = %while3A_34 to %while3A_30 step %while3A_37 iter_args(%while3A_44 = %while3A_36) -> (vector<1x640x1xf32>)  : i32 {
      %mul3A_45 = arith.constant 640 : i32
      %mul3A_46 = arith.muli %while3A_43, %mul3A_45 : i32
      %get3A_47 = arith.constant 0 : index
      %get3A_48 = arith.constant 0 : index
      %get3A_49 = arith.index_cast %mul3A_46 : i32 to index
      %get3A_50 = vector.load %arg2[%get3A_47, %get3A_48, %get3A_49] : memref<1x1x5120xf32, #tpu.memory_space<vmem>>, vector<1x1x640xf32>
      %mul3A_51 = arith.constant 640 : i32
      %mul3A_52 = arith.muli %while3A_43, %mul3A_51 : i32
      %get3A_53 = arith.constant 0 : index
      %get3A_54 = arith.constant 0 : index
      %get3A_55 = arith.index_cast %mul3A_52 : i32 to index
      %get3A_56 = vector.load %arg3[%get3A_53, %get3A_54, %get3A_55] : memref<1x1x5120xf32, #tpu.memory_space<vmem>>, vector<1x1x640xf32>
      %mul3A_57 = arith.constant 640 : i32
      %mul3A_58 = arith.muli %while3A_43, %mul3A_57 : i32
      %get3A_59 = arith.constant 0 : index
      %get3A_60 = arith.constant 0 : index
      %get3A_61 = arith.index_cast %mul3A_58 : i32 to index
      %get3A_62 = vector.load %arg4[%get3A_59, %get3A_60, %get3A_61] : memref<1x1x5120xf32, #tpu.memory_space<vmem>>, vector<1x1x640xf32>
      %div3A_63 = arith.constant 2.000000e+00 : f32
      %div3A_64 = vector.broadcast %div3A_63 : f32 to vector<1x1x640xf32>
      %div3A_65 = arith.divf %get3A_56, %div3A_64 : vector<1x1x640xf32>
      %sub3A_66 = arith.subf %get3A_50, %div3A_65 : vector<1x1x640xf32>
      %div3A_67 = arith.constant 2.000000e+00 : f32
      %div3A_68 = vector.broadcast %div3A_67 : f32 to vector<1x1x640xf32>
      %div3A_69 = arith.divf %get3A_56, %div3A_68 : vector<1x1x640xf32>
      %add3A_70 = arith.addf %get3A_50, %div3A_69 : vector<1x1x640xf32>
      %sub3A_71 = arith.subf %add3A_70, %sub3A_66 : vector<1x1x640xf32>
      %max3A_72 = arith.constant 0.000000e+00 : f32
      %max3A_73 = vector.broadcast %max3A_72 : f32 to vector<1x1x640xf32>
      %max3A_74 = arith.maximumf %sub3A_71, %max3A_73 : vector<1x1x640xf32>
      %mul3A_75 = arith.constant 640 : i32
      %mul3A_76 = arith.muli %while3A_43, %mul3A_75 : i32
      %iota3A_77 = tpu.iota {dimensions = array<i32: 2>} : vector<1x1x640xi32>
      %add3A_78 = vector.broadcast %mul3A_76 : i32 to vector<1x1x640xi32>
      %add3A_79 = arith.addi %add3A_78, %iota3A_77 : vector<1x1x640xi32>
      %min3A = vector.broadcast %add3A : vector<1x640x1xf32> to vector<1x640x640xf32>
      %min3A_80 = vector.broadcast %add3A_70 : vector<1x1x640xf32> to vector<1x640x640xf32>
      %min3A_81 = arith.minimumf %min3A, %min3A_80 : vector<1x640x640xf32>
      %max3A_82 = vector.broadcast %sub3A : vector<1x640x1xf32> to vector<1x640x640xf32>
      %max3A_83 = vector.broadcast %sub3A_66 : vector<1x1x640xf32> to vector<1x640x640xf32>
      %max3A_84 = arith.maximumf %max3A_82, %max3A_83 : vector<1x640x640xf32>
      %sub3A_85 = arith.subf %min3A_81, %max3A_84 : vector<1x640x640xf32>
      %max3A_86 = arith.constant 0.000000e+00 : f32
      %max3A_87 = vector.broadcast %max3A_86 : f32 to vector<1x640x640xf32>
      %max3A_88 = arith.maximumf %max3A_87, %sub3A_85 : vector<1x640x640xf32>
      %add3A_89 = vector.broadcast %max3A_21 : vector<1x640x1xf32> to vector<1x640x640xf32>
      %add3A_90 = vector.broadcast %max3A_74 : vector<1x1x640xf32> to vector<1x640x640xf32>
      %add3A_91 = arith.addf %add3A_89, %add3A_90 : vector<1x640x640xf32>
      %sub3A_92 = arith.subf %add3A_91, %max3A_88 : vector<1x640x640xf32>
      %max3A_93 = arith.constant 9.99999993E-9 : f32
      %max3A_94 = vector.broadcast %max3A_93 : f32 to vector<1x640x640xf32>
      %max3A_95 = arith.maximumf %sub3A_92, %max3A_94 : vector<1x640x640xf32>
      %div3A_96 = arith.divf %max3A_88, %max3A_95 : vector<1x640x640xf32>
      %gt3A = arith.constant 5.000000e-01 : f32
      %gt3A_97 = vector.broadcast %gt3A : f32 to vector<1x640x640xf32>
      %gt3A_98 = arith.cmpf ogt, %div3A_96, %gt3A_97 : vector<1x640x640xf32>
      %gt3A_99 = vector.broadcast %get3A_62 : vector<1x1x640xf32> to vector<1x640x640xf32>
      %gt3A_100 = vector.broadcast %reshape3A_13 : vector<1x640x1xf32> to vector<1x640x640xf32>
      %gt3A_101 = arith.cmpf ogt, %gt3A_99, %gt3A_100 : vector<1x640x640xf32>
      %eq3A_102 = vector.broadcast %get3A_62 : vector<1x1x640xf32> to vector<1x640x640xf32>
      %eq3A_103 = vector.broadcast %reshape3A_13 : vector<1x640x1xf32> to vector<1x640x640xf32>
      %eq3A_104 = arith.cmpf oeq, %eq3A_102, %eq3A_103 : vector<1x640x640xf32>
      %lt3A = vector.broadcast %add3A_79 : vector<1x1x640xi32> to vector<1x640x640xi32>
      %lt3A_105 = vector.broadcast %add3A_23 : vector<1x640x1xi32> to vector<1x640x640xi32>
      %lt3A_106 = arith.cmpi slt, %lt3A, %lt3A_105 : vector<1x640x640xi32>
      %and3A = arith.andi %eq3A_104, %lt3A_106 : vector<1x640x640xi1>
      %or3A = arith.ori %gt3A_101, %and3A : vector<1x640x640xi1>
      %and3A_107 = arith.andi %gt3A_98, %or3A : vector<1x640x640xi1>
      %not3A = arith.constant dense<true> : vector<1x640x640xi1>
      %not3A_108 = arith.xori %or3A, %not3A : vector<1x640x640xi1>
      %and3A_109 = arith.andi %gt3A_98, %not3A_108 : vector<1x640x640xi1>
      %ne3A = vector.broadcast %add3A_23 : vector<1x640x1xi32> to vector<1x640x640xi32>
      %ne3A_110 = vector.broadcast %add3A_79 : vector<1x1x640xi32> to vector<1x640x640xi32>
      %ne3A_111 = arith.cmpi ne, %ne3A, %ne3A_110 : vector<1x640x640xi32>
      %and3A_112 = arith.andi %and3A_109, %ne3A_111 : vector<1x640x640xi1>
      %jit3A = arith.constant 1.000000e+00 : f32
      %jit3A_113 = arith.constant 0.000000e+00 : f32
      %broadcast_in_dim3A_114 = vector.broadcast %jit3A : f32 to vector<1x640x640xf32>
      %broadcast_in_dim3A_115 = vector.broadcast %jit3A_113 : f32 to vector<1x640x640xf32>
      %select_n3A = arith.select %and3A_112, %broadcast_in_dim3A_114, %broadcast_in_dim3A_115 : vector<1x640x640xi1>, vector<1x640x640xf32>
      %reduce_max3A = arith.constant dense<0xFF800000> : vector<1x640xf32>
      %reduce_max3A_116 = vector.multi_reduction <maximumf>, %select_n3A, %reduce_max3A [1] : vector<1x640x640xf32> to vector<1x640xf32>
      %broadcast_in_dim3A_117 = vector.shape_cast %reduce_max3A_116 : vector<1x640xf32> to vector<1x1x640xf32>
      %mul3A_118 = arith.constant 640 : i32
      %mul3A_119 = arith.muli %while3A_43, %mul3A_118 : i32
      %get3A_120 = arith.constant 0 : index
      %get3A_121 = arith.constant 0 : index
      %get3A_122 = arith.index_cast %mul3A_119 : i32 to index
      %get3A_123 = vector.load %arg6[%get3A_120, %get3A_121, %get3A_122] : memref<1x1x5120xf32, #tpu.memory_space<vmem>>, vector<1x1x640xf32>
      %max3A_124 = arith.maximumf %get3A_123, %broadcast_in_dim3A_117 : vector<1x1x640xf32>
      %mul3A_125 = arith.constant 640 : i32
      %mul3A_126 = arith.muli %while3A_43, %mul3A_125 : i32
      %swap3A_127 = arith.constant 0 : index
      %swap3A_128 = arith.constant 0 : index
      %swap3A_129 = arith.index_cast %mul3A_126 : i32 to index
      %swap3A_130 = vector.load %arg6[%swap3A_127, %swap3A_128, %swap3A_129] : memref<1x1x5120xf32, #tpu.memory_space<vmem>>, vector<1x1x640xf32>
      tpu.vector_store %arg6[%swap3A_127, %swap3A_128, %swap3A_129], %max3A_124 {strides = array<i32>} : memref<1x1x5120xf32, #tpu.memory_space<vmem>>, vector<1x1x640xf32>,
      %jit3A_131 = arith.constant 1.000000e+00 : f32
      %jit3A_132 = arith.constant 0.000000e+00 : f32
      %broadcast_in_dim3A_133 = vector.broadcast %jit3A_131 : f32 to vector<1x640x640xf32>
      %broadcast_in_dim3A_134 = vector.broadcast %jit3A_132 : f32 to vector<1x640x640xf32>
      %select_n3A_135 = arith.select %and3A_107, %broadcast_in_dim3A_133, %broadcast_in_dim3A_134 : vector<1x640x640xi1>, vector<1x640x640xf32>
      %reduce_max3A_136 = arith.constant dense<0xFF800000> : vector<1x640xf32>
      %reduce_max3A_137 = vector.multi_reduction <maximumf>, %select_n3A_135, %reduce_max3A_136 [2] : vector<1x640x640xf32> to vector<1x640xf32>
      %broadcast_in_dim3A_138 = vector.shape_cast %reduce_max3A_137 : vector<1x640xf32> to vector<1x640x1xf32>
      %max3A_139 = arith.maximumf %while3A_44, %broadcast_in_dim3A_138 : vector<1x640x1xf32>
      scf.yield %max3A_139 : vector<1x640x1xf32>
    }
    %reshape3A_39 = vector.shape_cast %while3A_38 : vector<1x640x1xf32> to vector<1x1x640xf32>
    %swap3A = arith.constant 0 : index
    %swap3A_40 = arith.constant 0 : index
    %swap3A_41 = arith.constant 0 : index
    %swap3A_42 = vector.load %arg5[%swap3A, %swap3A_40, %swap3A_41] : memref<1x1x640xf32, #tpu.memory_space<vmem>>, vector<1x1x640xf32>
    tpu.vector_store %arg5[%swap3A, %swap3A_40, %swap3A_41], %reshape3A_39 {strides = array<i32>} : memref<1x1x640xf32, #tpu.memory_space<vmem>>, vector<1x1x640xf32>,
    return
  }
  func.func @transform_0(%arg0: i32, %arg1: i32) -> (i32, i32, i32) {
    %c0_i32 = arith.constant 0 : i32
    %c0_i32_0 = arith.constant 0 : i32
    %c0_i32_1 = arith.constant 0 : i32
    return %arg0, %c0_i32, %c0_i32_0 : i32, i32, i32
  }
  func.func @transform_1(%arg0: i32, %arg1: i32) -> (i32, i32, i32) {
    %c0_i32 = arith.constant 0 : i32
    %c0_i32_0 = arith.constant 0 : i32
    %c0_i32_1 = arith.constant 0 : i32
    return %arg0, %c0_i32, %c0_i32_0 : i32, i32, i32
  }
  func.func @transform_2(%arg0: i32, %arg1: i32) -> (i32, i32, i32) {
    %c0_i32 = arith.constant 0 : i32
    %c0_i32_0 = arith.constant 0 : i32
    %c0_i32_1 = arith.constant 0 : i32
    return %arg0, %c0_i32, %c0_i32_0 : i32, i32, i32
  }
  func.func @transform_3(%arg0: i32, %arg1: i32) -> (i32, i32, i32) {
    %c0_i32 = arith.constant 0 : i32
    %c0_i32_0 = arith.constant 0 : i32
    return %arg0, %c0_i32, %arg1 : i32, i32, i32
  }
  func.func @transform_4(%arg0: i32, %arg1: i32) -> (i32, i32, i32) {
    %c0_i32 = arith.constant 0 : i32
    %c0_i32_0 = arith.constant 0 : i32
    %c0_i32_1 = arith.constant 0 : i32
    return %arg0, %c0_i32, %c0_i32_0 : i32, i32, i32
  }
}

module attributes {stable_mosaic.version = 14 : i64} {
  func.func @_pack_kernel(%arg0: i32, %arg1: memref<1x1x5120xf32, #tpu.memory_space<vmem>>, %arg2: memref<1x1x5120xf32, #tpu.memory_space<vmem>>, %arg3: memref<1x1x5120xi32, #tpu.memory_space<vmem>>, %arg4: memref<1x1x5120xi32, #tpu.memory_space<vmem>>, %arg5: memref<1x1x5120xi32, #tpu.memory_space<vmem>>, %arg6: memref<1x1x5120xi32, #tpu.memory_space<vmem>>, %arg7: memref<51200xi32, #tpu.memory_space<any>>, %arg8: memref<51200xi32, #tpu.memory_space<any>>, %arg9: memref<25600xi32, #tpu.memory_space<vmem>>, %arg10: memref<!tpu.dma_semaphore, #tpu.memory_space<semaphore_mem>>) attributes {dimension_semantics = [#tpu.dimension_semantics<arbitrary>], iteration_bounds = array<i64: 2>, scalar_prefetch = 0 : i64, scratch_operands = 2 : i64, tpu.core_type = #tpu.core_type<tc>, window_params = [{transform_indices = @transform_0, window_bounds = array<i64: 1, 1, 5120>}, {transform_indices = @transform_1, window_bounds = array<i64: 1, 1, 5120>}, {transform_indices = @transform_2, window_bounds = array<i64: 1, 1, 5120>}, {transform_indices = @transform_3, window_bounds = array<i64: 1, 1, 5120>}, {transform_indices = @transform_4, window_bounds = array<i64: 1, 1, 5120>}, {transform_indices = @transform_5, window_bounds = array<i64: 1, 1, 5120>}, {}, {}]} {
    %get3A = arith.constant 0 : index
    %get3A_0 = arith.constant 0 : index
    %get3A_1 = arith.constant 0 : index
    %get3A_2 = vector.load %arg1[%get3A, %get3A_0, %get3A_1] : memref<1x1x5120xf32, #tpu.memory_space<vmem>>, vector<1x1x5120xf32>
    %get3A_3 = arith.constant 0 : index
    %get3A_4 = arith.constant 0 : index
    %get3A_5 = arith.constant 0 : index
    %get3A_6 = vector.load %arg2[%get3A_3, %get3A_4, %get3A_5] : memref<1x1x5120xf32, #tpu.memory_space<vmem>>, vector<1x1x5120xf32>
    %max3A = arith.maximumf %get3A_2, %get3A_6 : vector<1x1x5120xf32>
    %get3A_7 = arith.constant 0 : index
    %get3A_8 = arith.constant 0 : index
    %get3A_9 = arith.constant 0 : index
    %get3A_10 = vector.load %arg3[%get3A_7, %get3A_8, %get3A_9] : memref<1x1x5120xi32, #tpu.memory_space<vmem>>, vector<1x1x5120xi32>
    %gt3A = arith.constant 0.000000e+00 : f32
    %gt3A_11 = vector.broadcast %gt3A : f32 to vector<1x1x5120xf32>
    %gt3A_12 = arith.cmpf ogt, %max3A, %gt3A_11 : vector<1x1x5120xf32>
    %jit3A = arith.constant 0 : i32
    %jit3A_13 = arith.constant 1073741824 : i32
    %broadcast_in_dim3A = vector.broadcast %jit3A : i32 to vector<1x1x5120xi32>
    %broadcast_in_dim3A_14 = vector.broadcast %jit3A_13 : i32 to vector<1x1x5120xi32>
    %select_n3A = arith.select %gt3A_12, %broadcast_in_dim3A, %broadcast_in_dim3A_14 : vector<1x1x5120xi1>, vector<1x1x5120xi32>
    %add3A = arith.addi %get3A_10, %select_n3A : vector<1x1x5120xi32>
    %iota3A = tpu.iota {dimensions = array<i32: 2>} : vector<1x1x5120xi32>
    %lt3A = arith.constant 5000 : i32
    %lt3A_15 = vector.broadcast %lt3A : i32 to vector<1x1x5120xi32>
    %lt3A_16 = arith.cmpi slt, %iota3A, %lt3A_15 : vector<1x1x5120xi32>
    %jit3A_17 = arith.constant -2147483648 : i32
    %broadcast_in_dim3A_18 = vector.broadcast %jit3A_17 : i32 to vector<1x1x5120xi32>
    %select_n3A_19 = arith.select %lt3A_16, %add3A, %broadcast_in_dim3A_18 : vector<1x1x5120xi1>, vector<1x1x5120xi32>
    %reshape3A = vector.shape_cast %select_n3A_19 : vector<1x1x5120xi32> to vector<5120xi32>
    %swap3A = arith.constant 0 : index
    %swap3A_20 = vector.load %arg9[%swap3A] : memref<25600xi32, #tpu.memory_space<vmem>>, vector<5120xi32>
    tpu.vector_store %arg9[%swap3A], %reshape3A {strides = array<i32>} : memref<25600xi32, #tpu.memory_space<vmem>>, vector<5120xi32>,
    %get3A_21 = arith.constant 0 : index
    %get3A_22 = arith.constant 0 : index
    %get3A_23 = arith.constant 0 : index
    %get3A_24 = vector.load %arg3[%get3A_21, %get3A_22, %get3A_23] : memref<1x1x5120xi32, #tpu.memory_space<vmem>>, vector<1x1x5120xi32>
    %reshape3A_25 = vector.shape_cast %get3A_24 : vector<1x1x5120xi32> to vector<5120xi32>
    %swap3A_26 = arith.constant 5120 : index
    %swap3A_27 = vector.load %arg9[%swap3A_26] : memref<25600xi32, #tpu.memory_space<vmem>>, vector<5120xi32>
    tpu.vector_store %arg9[%swap3A_26], %reshape3A_25 {strides = array<i32>} : memref<25600xi32, #tpu.memory_space<vmem>>, vector<5120xi32>,
    %get3A_28 = arith.constant 0 : index
    %get3A_29 = arith.constant 0 : index
    %get3A_30 = arith.constant 0 : index
    %get3A_31 = vector.load %arg4[%get3A_28, %get3A_29, %get3A_30] : memref<1x1x5120xi32, #tpu.memory_space<vmem>>, vector<1x1x5120xi32>
    %reshape3A_32 = vector.shape_cast %get3A_31 : vector<1x1x5120xi32> to vector<5120xi32>
    %swap3A_33 = arith.constant 10240 : index
    %swap3A_34 = vector.load %arg9[%swap3A_33] : memref<25600xi32, #tpu.memory_space<vmem>>, vector<5120xi32>
    tpu.vector_store %arg9[%swap3A_33], %reshape3A_32 {strides = array<i32>} : memref<25600xi32, #tpu.memory_space<vmem>>, vector<5120xi32>,
    %get3A_35 = arith.constant 0 : index
    %get3A_36 = arith.constant 0 : index
    %get3A_37 = arith.constant 0 : index
    %get3A_38 = vector.load %arg5[%get3A_35, %get3A_36, %get3A_37] : memref<1x1x5120xi32, #tpu.memory_space<vmem>>, vector<1x1x5120xi32>
    %reshape3A_39 = vector.shape_cast %get3A_38 : vector<1x1x5120xi32> to vector<5120xi32>
    %swap3A_40 = arith.constant 15360 : index
    %swap3A_41 = vector.load %arg9[%swap3A_40] : memref<25600xi32, #tpu.memory_space<vmem>>, vector<5120xi32>
    tpu.vector_store %arg9[%swap3A_40], %reshape3A_39 {strides = array<i32>} : memref<25600xi32, #tpu.memory_space<vmem>>, vector<5120xi32>,
    %get3A_42 = arith.constant 0 : index
    %get3A_43 = arith.constant 0 : index
    %get3A_44 = arith.constant 0 : index
    %get3A_45 = vector.load %arg6[%get3A_42, %get3A_43, %get3A_44] : memref<1x1x5120xi32, #tpu.memory_space<vmem>>, vector<1x1x5120xi32>
    %reshape3A_46 = vector.shape_cast %get3A_45 : vector<1x1x5120xi32> to vector<5120xi32>
    %swap3A_47 = arith.constant 20480 : index
    %swap3A_48 = vector.load %arg9[%swap3A_47] : memref<25600xi32, #tpu.memory_space<vmem>>, vector<5120xi32>
    tpu.vector_store %arg9[%swap3A_47], %reshape3A_46 {strides = array<i32>} : memref<25600xi32, #tpu.memory_space<vmem>>, vector<5120xi32>,
    %mul3A = arith.constant 5 : i32
    %mul3A_49 = arith.muli %arg0, %mul3A : i32
    %mul3A_50 = arith.constant 5120 : i32
    %mul3A_51 = arith.muli %mul3A_49, %mul3A_50 : i32
    %dma_start3A = tpu.memref_slice %arg8[%mul3A_51] : memref<51200xi32, #tpu.memory_space<any>> -> memref<25600xi32, #tpu.memory_space<any>>
    tpu.enqueue_dma source(%arg9 : memref<25600xi32, #tpu.memory_space<vmem>>) target(%dma_start3A : memref<25600xi32, #tpu.memory_space<any>>) target_semaphore(%arg10 : memref<!tpu.dma_semaphore, #tpu.memory_space<semaphore_mem>>)
    %dma_wait3A = tpu.memref_slice %arg8[%mul3A_51] : memref<51200xi32, #tpu.memory_space<any>> -> memref<25600xi32, #tpu.memory_space<any>>
    tpu.wait_dma2 semaphore(%arg10 : memref<!tpu.dma_semaphore, #tpu.memory_space<semaphore_mem>>) src(%arg9 : memref<25600xi32, #tpu.memory_space<vmem>>) dst(%dma_wait3A : memref<25600xi32, #tpu.memory_space<any>>)
    return
  }
  func.func @transform_0(%arg0: i32) -> (i32, i32, i32) {
    %c0_i32 = arith.constant 0 : i32
    %c0_i32_0 = arith.constant 0 : i32
    %c0_i32_1 = arith.constant 0 : i32
    return %arg0, %c0_i32, %c0_i32_0 : i32, i32, i32
  }
  func.func @transform_1(%arg0: i32) -> (i32, i32, i32) {
    %c0_i32 = arith.constant 0 : i32
    %c0_i32_0 = arith.constant 0 : i32
    %c0_i32_1 = arith.constant 0 : i32
    return %arg0, %c0_i32, %c0_i32_0 : i32, i32, i32
  }
  func.func @transform_2(%arg0: i32) -> (i32, i32, i32) {
    %c0_i32 = arith.constant 0 : i32
    %c0_i32_0 = arith.constant 0 : i32
    %c0_i32_1 = arith.constant 0 : i32
    return %arg0, %c0_i32, %c0_i32_0 : i32, i32, i32
  }
  func.func @transform_3(%arg0: i32) -> (i32, i32, i32) {
    %c0_i32 = arith.constant 0 : i32
    %c0_i32_0 = arith.constant 0 : i32
    %c0_i32_1 = arith.constant 0 : i32
    return %arg0, %c0_i32, %c0_i32_0 : i32, i32, i32
  }
  func.func @transform_4(%arg0: i32) -> (i32, i32, i32) {
    %c0_i32 = arith.constant 0 : i32
    %c0_i32_0 = arith.constant 0 : i32
    %c0_i32_1 = arith.constant 0 : i32
    return %arg0, %c0_i32, %c0_i32_0 : i32, i32, i32
  }
  func.func @transform_5(%arg0: i32) -> (i32, i32, i32) {
    %c0_i32 = arith.constant 0 : i32
    %c0_i32_0 = arith.constant 0 : i32
    %c0_i32_1 = arith.constant 0 : i32
    return %arg0, %c0_i32, %c0_i32_0 : i32, i32, i32
  }
}

</mosaic_0001>

<sc_bundles>
// kernel: kernel.6.cloned.1.call-start
scs
__scs_entry_jumppad:
0x0: {  	(pc) =	sbr.rel $0x88, $3  }
0x1: {  	(tag) =	ssettag $0x0;
	lr =	simm.s32 $0x1  }
0x2: {  	[smem:$0x3F9E] =	sst lr;
	_ =	strace $0xD0000000  }
0x3: {  	_ = 	snop  }
0x4: {  	_ = 	snop  }
0x5: {  	_ = 	snop  }
0x6: {  	_ = 	snop  }
0x7: {  	_ = 	snop  }
__scs_overlays_trampoline_lowered:
0x8: {  	[smem:$0x3FAD] =	sst s0  }
0x9: {  	[smem:$0x3FAE] =	sst s1  }
0xa: {  	[smem:$0x3FAF] =	sst s2  }
0xb: {  	[smem:$0x3FB0] =	sst s3  }
0xc: {  	[smem:$0x3FB1] =	sst s4  }
0xd: {  	[smem:$0x3FB2] =	sst s5  }
0xe: {  	[smem:$0x3FB3] =	sst s6  }
0xf: {  	[smem:$0x3FB4] =	sst s7  }
0x10: {  	[smem:$0x3FB5] =	sst s8  }
0x11: {  	[smem:$0x3FB6] =	sst s9;
	s0 =	simm.s32 @!p0 $0x0  }
0x12: {  	s1 =	sld [smem:$0x3F9C];
	s0 =	simm.s32 @p0 $0x1  }
0x13: {  	[smem:$0x3FB7] =	sst s0;
	s0 =	simm.s32 @!p1 $0x0  }
0x14: {  	s2 =	sld [smem:$0x3F9B];
	s0 =	simm.s32 @p1 $0x1  }
0x15: {  	[smem:$0x3FB8] =	sst s0;
	s0 =	simm.s32 @!p2 $0x0  }
0x16: {  	s3 =	sld [smem:$0x3FDB];
	s0 =	simm.s32 @p2 $0x1  }
0x17: {  	s4 =	simm.s32 $0x1BF5;
	[smem:$0x3FBA] =	sst s0  }
0x18: {  	s0 =	sld [smem:$0x3F9D];
	_ =	swait.ge [sflag:s4], $0x0  }
0x19: {  	s7 =	sld [smem:$0x3F9E]  }
0x1a: {  	s8 =	sadd.s32 $0xFFFFE003, lr  }
0x1b: {  	s9 =	sadd.s32 $0xFFFFFEF7, lr;
	s5 =	simm.s32 $0xFFFFFFFF;
	p2 =	slt.u32 s8, $0xFFFFF086  }
0x1c: {  	p1 =	slt.u32 s9, $0xF7A;
	s5 =	simm.s32 @!p2 $0x0  }
0x1d: {  	s5 =	simm.s32 @p1 $0x1;
	p0 =	seq.s32 s7, s2  }
0x1e: {  	s7 =	smul.u32 @!p0 $0xF7A, s2;
	p2 =	seq.s32 @!p0 s5, $0x0  }
0x1f: {  	s9 =	smul.u32 $0xF7A, s1;
	s8 =	simm.s32 @!p0 $0x1BF5;
	p2 =	por !p2, p0  }
0x20: {  	[sflag:s8] =	ssyncset.s32 @!p0 $0xFFFFF086;
	s6 =	sadd.s32 @!p0 s3, s7;
	s7 =	simm.s32 @!p0 $0x108  }
0x21: {  	s3 =	sadd.s32 s3, s9;
	s6 =	sadd.s32 @!p0 $0x88, s6;
	s7 =	simm.s32 @p2 $0x1082  }
0x22: {  	[simem:s7], [sflag:s8] =	dma.local @!p0 [hbm:s6], $0xF7A  }
0x23: {  	s9 =	sor.u32 $0xD0000000, s2;
	s6 =	simm.s32 $0x108;
	_ =	swait.ge @!p0 [sflag:s8], $0x0  }
0x24: {  	s3 =	sadd.s32 $0x88, s3;
	s6 =	simm.s32 @!p1 $0x1082;
	[sflag:s4] =	ssyncset.s32 $0xFFFFF086  }
0x25: {  	[simem:s6], [sflag:s4] =	dma.local [hbm:s3], $0xF7A  }
0x26: {  	[smem:$0x3F9E] =	sst s1;
	(tag) =	ssettag s2;
	_ =	strace s9  }
0x27: {  	s1 =	sld [smem:$0x3FAE]  }
0x28: {  	s2 =	sld [smem:$0x3FAF]  }
0x29: {  	s4 =	sld [smem:$0x3FB1]  }
0x2a: {  	p0 =	seq.s32 s5, $0x0;
	s5 =	sld [smem:$0x3FB2]  }
0x2b: {  	s6 =	sld [smem:$0x3FB3]  }
0x2c: {  	s7 =	sld [smem:$0x3FB4]  }
0x2d: {  	s3 =	simm.s32 $0x108;
	s8 =	sld [smem:$0x3FB5]  }
0x2e: {  	s3 =	simm.s32 @!p0 $0x1082;
	s9 =	sld [smem:$0x3FB6]  }
0x2f: {  	lr =	sadd.s32 s0, s3;
	s0 =	sld [smem:$0x3FAD]  }
0x30: {  	s3 =	sld [smem:$0x3FB0]  }
0x31: {  	[smem:$0x3FB9] =	sst s10  }
0x32: {  	s10 =	sld [smem:$0x3FB7];
	_ =	sdelay $0x3  }
0x33: {  	p0 =	seq.s32 s10, $0x1;
	s10 =	sld [smem:$0x3FB9];
	_ =	sdelay $0x3  }
0x34: {  	[smem:$0x3FB9] =	sst s10  }
0x35: {  	s10 =	sld [smem:$0x3FB8];
	_ =	sdelay $0x3  }
0x36: {  	p1 =	seq.s32 s10, $0x1;
	s10 =	sld [smem:$0x3FB9];
	_ =	sdelay $0x3  }
0x37: {  	[smem:$0x3FB9] =	sst s10  }
0x38: {  	s10 =	sld [smem:$0x3FBA]  }
0x39: {  	_ = 	snop;
	(pc) =	sbr.ind lr, $3  }
0x3a: {  	_ = 	snop  }
0x3b: {  	_ = 	snop  }
0x3c: {  	p2 =	seq.s32 s10, $0x1;
	s10 =	sld [smem:$0x3FB9]  }
0x3d: {  	_ =	shalt  }
0x3e: {  	_ =	shalt  }
0x3f: {  	_ =	shalt  }
0x40: {  	_ =	shalt  }
0x41: {  	_ =	shalt  }
0x42: {  	_ =	shalt  }
0x43: {  	_ =	shalt  }
0x44: {  	_ =	shalt  }
0x45: {  	_ =	shalt  }
0x46: {  	_ =	shalt  }
0x47: {  	_ =	shalt  }
0x48: {  	_ =	shalt  }
0x49: {  	_ =	shalt  }
0x4a: {  	_ =	shalt  }
0x4b: {  	_ =	shalt  }
0x4c: {  	_ =	shalt  }
0x4d: {  	_ =	shalt  }
0x4e: {  	_ =	shalt  }
0x4f: {  	_ =	shalt  }
0x50: {  	_ =	shalt  }
0x51: {  	_ =	shalt  }
0x52: {  	_ =	shalt  }
0x53: {  	_ =	shalt  }
0x54: {  	_ =	shalt  }
0x55: {  	_ =	shalt  }
0x56: {  	_ =	shalt  }
0x57: {  	_ =	shalt  }
0x58: {  	_ =	shalt  }
0x59: {  	_ =	shalt  }
0x5a: {  	_ =	shalt  }
0x5b: {  	_ =	shalt  }
0x5c: {  	_ =	shalt  }
0x5d: {  	_ =	shalt  }
0x5e: {  	_ =	shalt  }
0x5f: {  	_ =	shalt  }
0x60: {  	_ =	shalt  }
0x61: {  	_ =	shalt  }
0x62: {  	_ =	shalt  }
0x63: {  	_ =	shalt  }
0x64: {  	_ =	shalt  }
0x65: {  	_ =	shalt  }
0x66: {  	_ =	shalt  }
0x67: {  	_ =	shalt  }
0x68: {  	_ =	shalt  }
0x69: {  	_ =	shalt  }
0x6a: {  	_ =	shalt  }
0x6b: {  	_ =	shalt  }
0x6c: {  	_ =	shalt  }
0x6d: {  	_ =	shalt  }
0x6e: {  	_ =	shalt  }
0x6f: {  	_ =	shalt  }
0x70: {  	_ =	shalt  }
0x71: {  	_ =	shalt  }
0x72: {  	_ =	shalt  }
0x73: {  	_ =	shalt  }
0x74: {  	_ =	shalt  }
0x75: {  	_ =	shalt  }
0x76: {  	_ =	shalt  }
0x77: {  	_ =	shalt  }
0x78: {  	_ =	shalt  }
0x79: {  	_ =	shalt  }
0x7a: {  	_ =	shalt  }
0x7b: {  	_ =	shalt  }
0x7c: {  	_ =	shalt  }
0x7d: {  	_ =	shalt  }
0x7e: {  	_ =	shalt  }
0x7f: {  	_ =	shalt  }
0x80: {  	_ =	shalt  }
0x81: {  	_ =	shalt  }
0x82: {  	_ =	shalt  }
0x83: {  	_ =	shalt  }
0x84: {  	_ =	shalt  }
0x85: {  	_ =	shalt  }
0x86: {  	_ =	shalt  }
0x87: {  	_ =	shalt  }
.Lfunc_end0:
.L_simem_size_0:
called_computation_lowered:
.L_overlay_start_0:
0x88: {  	s2 =	sld [smem:$0x3FD9]  }
0x89: {  	s3 =	sld [smem:$0x3FFE];
	_ =	sdelay $0x1  }
0x8a: {  	s1 =	srdreg.scid  }
0x8b: {  	s0 =	sand.u32 $0x1, s1  }
0x8c: {  	s16 =	sshll.u32 s0, $0xA;
	s2 =	sadd.s32 s3, s2  }
0x8d: {  	s2 =	sadd.s32 s2, s16  }
0x8e: {  	[smem:$0x3FC5] =	sst s2  }
0x8f: {  	_ = 	snop  }
0x90: {  	(tm) =	ssettm $0x1  }
0x91: {  	s17 =	sld [smem:$0x3FFB];
	_ =	sdelay $0x3  }
0x92: {  	_ =	strace s17  }
0x93: {  	s2 =	sld [smem:$0x3FFC];
	_ =	sdelay $0x3  }
0x94: {  	_ =	strace s2  }
0x95: {  	s2 =	sld [smem:$0x3FFD];
	_ =	sdelay $0x3  }
0x96: {  	_ =	strace s2  }
0x97: {  	_ =	strace $0x8FFFFFFF  }
0x98: {  	s18 =	sld [smem:$0x3FDB];
	_ =	sdelay $0x1  }
0x99: {  	s19 =	simm.s32 $_scs_section_size  }
0x9a: {  	s4 =	simm.s32 $_size__tile_overlayer_lowered;
	s5 =	simm.s32 $_tile_overlayer_lowered  }
0x9b: {  	s22 =	simm.s32 $0x1BFF;
	s21 =	sshll.u32 s5, $0x1;
	s2 =	sadd.s32 s19, s18  }
0x9c: {  	s6 =	simm.s32 $0x0;
	s20 =	sshll.u32 s4, $0x1;
	s4 =	sadd.s32 s21, s2  }
0x9d: {  	[timem:s6], [sflag:s22] =	dma.local [hbm:s4], s20  }
0x9e: {  	_ =	swait.ge [sflag:s22], s20  }
0x9f: {  	s3 =	ssub.s32 $0x0, s20;
	[sflag:s22] =	ssyncset.done $0x0  }
0xa0: {  	[sflag:s22] =	ssyncadd.s32 s3;
	_ =	sdelay $0x1  }
0xa1: {  	s23 =	simm.s32 $0x1B8B  }
0xa2: {  	_ =	swait.ge [sflag:s23], $0x1  }
0xa3: {  	[sflag:s23] =	ssyncset.done $0x0  }
0xa4: {  	s25 =	simm.s32 $0x1B8E;
	s24 =	sld [smem:$0x3FFE];
	[sflag:s23] =	ssyncadd.s32 $0xFFFFFFFF  }
0xa5: {  	s26 =	simm.s32 $execute0_lowered;
	[smem:$0x3FD2] =	sst s25  }
0xa6: {  	s4 =	sshll.u32 s26, $0x1;
	_ =	strace $0x80000046;
	[dreg:$0x1] =	wrdreg $0xFFFFFFFF  }
0xa7: {  	s28 =	simm.s32 $_size_execute0_lowered;
	s2 =	sadd.s32 s2, s4;
	[dreg:$0x0] =	wrdreg $0x0  }
0xa8: {  	s4 =	sshll.u32 s28, $0x1;
	[dreg:$0x2] =	wrdreg s2  }
0xa9: {  	[dreg:$0x3] =	wrdreg s4  }
0xaa: {  	[dreg:$0x4] =	wrdreg $0xC0  }
0xab: {  	_ =	task [dreg:s6], $0x5FFFF  }
0xac: {  	[dreg:$0x1] =	wrdreg $0xFFFFFFFF  }
0xad: {  	[dreg:$0x0] =	wrdreg $0x60  }
0xae: {  	[dreg:$0x2] =	wrdreg s24  }
0xaf: {  	[dreg:$0x3] =	wrdreg $0x9  }
0xb0: {  	_ =	task.clear_ibuf [dreg:s6], $0x4FFFF;
	_ =	strace $0x90000046  }
0xb1: {  	s29 =	simm.s32 $0x9;
	_ =	strace $0x80000048  }
0xb2: {  	_ =	swait.ge [sflag:s29], $0x1  }
0xb3: {  	[sflag:s29] =	ssyncadd.s32 $0xFFFFFFFF  }
0xb4: {  	_ =	strace $0x90000048  }
0xb5: {  	_ =	sfence  }
0xb6: {  	s30 =	sld [smem:$0x0];
	_ =	sdelay $0x2  }
0xb7: {  	s31 =	sshll.u32 s1, $0xD;
	s1 =	sshrl.u32 s1, $0x2  }
0xb8: {  	s3 =	sand.u32 $0x4000, s31;
	s1 =	sadd.s32 s1, s30  }
0xb9: {  	s0 =	sor.u32 s3, s0;
	s1 =	sshll.u32 s1, $0x11  }
0xba: {  	s0 =	sor.u32 s1, s0  }
0xbb: {  	s0 =	sadd.s32 $0x8F2B, s0  }
0xbc: {  	[sflag:s0] =	ssyncadd.remote.s32 $0x1  }
0xbd: {  	_ =	sfence.sel $0xFFFF  }
0xbe: {  	[dreg:$0x0] =	wrdreg $0xFFFFFFFF;
	(pc) =	sbr.abs _section_cstart, $3  }
0xbf: {  	[dreg:$0x1] =	wrdreg $0xFFFFFFFF  }
0xc0: {  	_ =	task.clear_ibuf [dreg:s6], $0x2FFFF;
	_ =	strace $0x9FFFFFFF  }
0xc1: {  	(tm) =	ssettm $0x7FFFFFFF  }
tec
execute0_lowered:
.L_overlay_start_1:
0x0: {  	(tag) =	ssettag $0x1  }
0x1: {  	s3 =	stileid.u32  }
0x2: {  	p0 =	sne.s32 s3, $0x0  }
.Ltmp0:
0x3: {  	_ = 	snop;
	(pc) =	sbr.rel @p0 .LBB2_9-.Ltmp0, $4  }
0x4: {  	_ = 	snop  }
0x5: {  	s2 =	rddreg [dreg:$0x0];
	s1 =	simm.s32 $0x0  }
0x6: {  	[smem:$0x7FF] =	sst s1  }
0x7: {  	s0 =	rddreg [dreg:$0x1];
	_ =	strace $0x80000047  }
0x8: {  	v0 =	vimm.s32 $0x76543210;
	v1 =	vimm.s32 $0xFEDCBA98  }
0x9: {  	v2 =	vimm.s32 $0xBA98FEDC;
	v3 =	vimm.s32 $0x32107654;
	v4 =	vimm.s32 $0xDCFE98BA  }
0xa: {  	s3 =	srdreg.scid;
	v5 =	vimm.s32 $0x54761032;
	v6 =	vimm.s32 $0xEFCDAB89;
	v7 =	vimm.s32 $0x67452301  }
0xb: {  	s7 =	sadd.s32 $0x1000, s2;
	s12 =	simm.s32 $0x3C00;
	s4 =	sand.u32 $0x1, s3;
	v0 =	vunpack.c.l.s4.s8 v0;
	v1 =	vunpack.c.l.s4.s8 v1;
	v2 =	vunpack.c.l.s4.s8 v2  }
0xc: {  	s13 =	simm.s32 $0x5000;
	s14 =	simm.s32 $0x6900;
	v3 =	vunpack.c.l.s4.s8 v3;
	v4 =	vunpack.c.l.s4.s8 v4;
	v5 =	vunpack.c.l.s4.s8 v5;
	s3 =	smul.u32 $0x6400, s4  }
0xd: {  	s15 =	simm.s32 $0x6980;
	s16 =	simm.s32 $0x6400;
	v6 =	vunpack.c.l.s4.s8 v6;
	v7 =	vunpack.c.l.s4.s8 v7;
	s5 =	smul.u32 $0x38, s4;
	v2 =	vunpack.c.0.s8.s32 v2  }
0xe: {  	s17 =	simm.s32 $0x0;
	s9 =	ssub.s32 $0x2, s4;
	s11 =	smul.u32 $0xC80, s4;
	v3 =	vunpack.c.0.s8.s32 v3;
	v4 =	vunpack.c.0.s8.s32 v4;
	v5 =	vunpack.c.0.s8.s32 v5  }
0xf: {  	s10 =	sshrl.u32 s9, $0x1;
	v1 =	vunpack.c.0.s8.s32 v1;
	v6 =	vunpack.c.0.s8.s32 v6;
	v7 =	vunpack.c.0.s8.s32 v7;
	s3 =	sshrl.u32 s3, $0x3;
	s8 =	sadd.s32 s5, s2  }
0x10: {  	s9 =	ssub.s32 s9, s10;
	s10 =	simm.s32 $0x1400;
	s6 =	sadd.s32 s7, s3;
	v3 =	vcombine.low v3, v2;
	v2 =	vunpack.c.0.s8.s32 v0;
	v4 =	vcombine.low v5, v4  }
0x11: {  	s7 =	sadd.s32 s7, s11;
	s11 =	simm.s32 $0x2800;
	v0 =	vimm.s32 $0x0;
	v5 =	vand.u32 $0xF, v1;
	v6 =	vcombine.low v7, v6;
	s2 =	sadd.s32 $0x280, s6  }
0x12: {  	v1 =	vlaneseq.u32;
	s3 =	sadd.s32 $0x500, s6;
	s4 =	sadd.s32 $0x780, s6;
	s5 =	sadd.s32 $0xA00, s6;
	v2 =	vcombine.low v5, v2;
	v3 =	vand.u32 $0xF, v3  }
0x13: {  	s6 =	sadd.s32 $0x2A00, s8;
	s8 =	smax.u32 s9, $0x1;
	s9 =	simm.s32 $0x1;
	v4 =	vand.u32 $0xF, v4;
	v5 =	vand.u32 $0xF, v6;
	v6 =	vimm.s32 $0x80000000  }
.LBB2_2:
0x14: {  	[tilespmem:s1], [sflag:$0x1] =	stream.linear.gather [hbm4b:s7+s1], $0x1400, $0x38;
	[tilespmem:$0x6A00] =	vst v63  }
0x15: {  	_ =	swait.ge [sflag:s9], $0x1400  }
0x16: {  	[sflag:s9] =	ssyncset.done $0x0  }
0x17: {  	[sflag:s9] =	ssyncadd.s32 $0xFFFFEC00  }
0x18: {  	[tilespmem:s10], [sflag:$0x1] =	stream.linear.gather [hbm4b:s2+s1], $0x1400, $0x38;
	[tilespmem:$0x6A00] =	vst v63  }
0x19: {  	_ =	swait.ge [sflag:s9], $0x1400  }
0x1a: {  	[sflag:s9] =	ssyncset.done $0x0  }
0x1b: {  	[sflag:s9] =	ssyncadd.s32 $0xFFFFEC00  }
0x1c: {  	[tilespmem:s11], [sflag:$0x1] =	stream.linear.gather [hbm4b:s3+s1], $0x1400, $0x38;
	[tilespmem:$0x6A00] =	vst v63  }
0x1d: {  	_ =	swait.ge [sflag:s9], $0x1400  }
0x1e: {  	[sflag:s9] =	ssyncset.done $0x0  }
0x1f: {  	[sflag:s9] =	ssyncadd.s32 $0xFFFFEC00  }
0x20: {  	[tilespmem:s12], [sflag:$0x1] =	stream.linear.gather [hbm4b:s4+s1], $0x1400, $0x38;
	[tilespmem:$0x6A00] =	vst v63  }
0x21: {  	_ =	swait.ge [sflag:s9], $0x1400  }
0x22: {  	[sflag:s9] =	ssyncset.done $0x0  }
0x23: {  	[sflag:s9] =	ssyncadd.s32 $0xFFFFEC00  }
0x24: {  	[tilespmem:s13], [sflag:$0x1] =	stream.linear.gather [hbm4b:s5+s1], $0x1400, $0x38;
	[tilespmem:$0x6A00] =	vst v63  }
0x25: {  	_ =	swait.ge [sflag:s9], $0x1400  }
0x26: {  	[sflag:s9] =	ssyncset.done $0x0  }
0x27: {  	[sflag:s9] =	ssyncadd.s32 $0xFFFFEC00  }
0x28: {  	[tilespmem:$0x6400] =	vst v0  }
0x29: {  	[tilespmem:$0x6410] =	vst v0  }
0x2a: {  	[tilespmem:$0x6420] =	vst v0  }
0x2b: {  	[tilespmem:$0x6430] =	vst v0  }
0x2c: {  	[tilespmem:$0x6440] =	vst v0  }
0x2d: {  	[tilespmem:$0x6450] =	vst v0  }
0x2e: {  	[tilespmem:$0x6460] =	vst v0  }
0x2f: {  	[tilespmem:$0x6470] =	vst v0  }
0x30: {  	[tilespmem:$0x6480] =	vst v0  }
0x31: {  	[tilespmem:$0x6490] =	vst v0  }
0x32: {  	[tilespmem:$0x64A0] =	vst v0  }
0x33: {  	[tilespmem:$0x64B0] =	vst v0  }
0x34: {  	[tilespmem:$0x64C0] =	vst v0  }
0x35: {  	[tilespmem:$0x64D0] =	vst v0  }
0x36: {  	[tilespmem:$0x64E0] =	vst v0  }
0x37: {  	[tilespmem:$0x64F0] =	vst v0  }
0x38: {  	[tilespmem:$0x6500] =	vst v0  }
0x39: {  	[tilespmem:$0x6510] =	vst v0  }
0x3a: {  	[tilespmem:$0x6520] =	vst v0  }
0x3b: {  	[tilespmem:$0x6530] =	vst v0  }
0x3c: {  	[tilespmem:$0x6540] =	vst v0  }
0x3d: {  	[tilespmem:$0x6550] =	vst v0  }
0x3e: {  	[tilespmem:$0x6560] =	vst v0  }
0x3f: {  	[tilespmem:$0x6570] =	vst v0  }
0x40: {  	[tilespmem:$0x6580] =	vst v0  }
0x41: {  	[tilespmem:$0x6590] =	vst v0  }
0x42: {  	[tilespmem:$0x65A0] =	vst v0  }
0x43: {  	s18 =	simm.s32 $0x80;
	[tilespmem:$0x65B0] =	vst v0  }
0x44: {  	v7 =	vld [tilespmem:s18+$0xFFFFFF80]  }
0x45: {  	v8 =	vld [tilespmem:s18+$0xFFFFFF90];
	_ =	sdelay $0x1  }
0x46: {  	v9 =	vld [tilespmem:s18+$0xFFFFFFA0];
	_ =	sdelay $0x1  }
0x47: {  	v10 =	vld [tilespmem:s18+$0xFFFFFFB0]  }
0x48: {  	vm0 =	vgt.s32 v8, v7  }
0x49: {  	v11 =	vld [tilespmem:s18+$0xFFFFFFC0];
	v8 =	vsel vm0, v8, v7  }
0x4a: {  	vm1 =	vgt.s32 v9, v8  }
0x4b: {  	v53 =	vld [tilespmem:s18+$0xFFFFFFD0];
	v8 =	vsel vm1, v9, v8  }
0x4c: {  	vm2 =	vgt.s32 v10, v8  }
0x4d: {  	v54 =	vld [tilespmem:s18+$0xFFFFFFE0];
	v8 =	vsel vm2, v10, v8  }
0x4e: {  	vm3 =	vgt.s32 v11, v8  }
0x4f: {  	v55 =	vld [tilespmem:s18+$0xFFFFFFF0];
	v8 =	vsel vm3, v11, v8  }
0x50: {  	vm4 =	vgt.s32 v53, v8  }
0x51: {  	v56 =	vld [tilespmem:s18+$0x0];
	v8 =	vsel vm4, v53, v8  }
0x52: {  	vm5 =	vgt.s32 v54, v8  }
0x53: {  	v57 =	vld [tilespmem:s18+$0x10];
	v8 =	vsel vm5, v54, v8  }
0x54: {  	vm6 =	vgt.s32 v55, v8  }
0x55: {  	s19 =	simm.s32 $0x0;
	v58 =	vld [tilespmem:s18+$0x20];
	v8 =	vsel vm6, v55, v8  }
0x56: {  	vm7 =	veq.s32 v7, $0x80000000;
	v7 =	vmov s19;
	vm8 =	vgt.s32 v56, v8  }
0x57: {  	s29 =	simm.s32 $0x1;
	v59 =	vld [tilespmem:s18+$0x30];
	v7 =	vsel vm7, $0x0, v7;
	v8 =	vsel vm8, v56, v8  }
0x58: {  	s30 =	simm.s32 $0x2;
	v7 =	vsel vm0, s29, v7;
	vm9 =	vgt.s32 v57, v8  }
0x59: {  	s31 =	simm.s32 $0x3;
	v60 =	vld [tilespmem:s18+$0x40];
	v7 =	vsel vm1, s30, v7;
	v8 =	vsel vm9, v57, v8  }
0x5a: {  	s20 =	simm.s32 $0x4;
	v7 =	vsel vm2, s31, v7;
	vm10 =	vgt.s32 v58, v8  }
0x5b: {  	s21 =	simm.s32 $0x5;
	v61 =	vld [tilespmem:s18+$0x50];
	v7 =	vsel vm3, s20, v7;
	v8 =	vsel vm10, v58, v8  }
0x5c: {  	s22 =	simm.s32 $0x6;
	v7 =	vsel vm4, s21, v7;
	vm11 =	vgt.s32 v59, v8  }
0x5d: {  	s23 =	simm.s32 $0x7;
	v62 =	vld [tilespmem:s18+$0x60];
	v7 =	vsel vm5, s22, v7;
	v8 =	vsel vm11, v59, v8  }
0x5e: {  	s24 =	simm.s32 $0x8;
	v7 =	vsel vm6, s23, v7;
	vm12 =	vgt.s32 v60, v8  }
0x5f: {  	s25 =	simm.s32 $0x9;
	v63 =	vld [tilespmem:s18+$0x70];
	v7 =	vsel vm8, s24, v7;
	v8 =	vsel vm12, v60, v8  }
0x60: {  	s26 =	simm.s32 $0xA;
	v7 =	vsel vm9, s25, v7;
	vm13 =	vgt.s32 v61, v8  }
0x61: {  	s28 =	simm.s32 $0xB;
	v7 =	vsel vm10, s26, v7;
	v8 =	vsel vm13, v61, v8  }
0x62: {  	s29 =	simm.s32 $0xC;
	v7 =	vsel vm11, s28, v7;
	vm14 =	vgt.s32 v62, v8  }
0x63: {  	s30 =	simm.s32 $0xD;
	v7 =	vsel vm12, s29, v7;
	v8 =	vsel vm14, v62, v8  }
0x64: {  	s31 =	simm.s32 $0xE;
	v7 =	vsel vm13, s30, v7;
	vm15 =	vgt.s32 v63, v8  }
0x65: {  	s20 =	simm.s32 $0x6600;
	s23 =	simm.s32 $0xF;
	v7 =	vsel vm14, s31, v7;
	v8 =	vsel vm15, v63, v8  }
0x66: {  	s21 =	simm.s32 $0x6780;
	s22 =	simm.s32 $0x1F;
	v7 =	vsel vm15, s23, v7;
	[tilespmem:s20+$0x0] =	vst v8  }
.LBB2_3:
0x67: {  	[tilespmem:s21+$0x0] =	vst v7;
	s20 =	sadd.s32 $0x10, s20;
	s21 =	sadd.s32 $0x10, s21;
	s18 =	sadd.s32 $0x100, s18  }
0x68: {  	p1 =	sne.s32 s22, $0x13F;
	s19 =	smov.u32 s22;
	s22 =	sadd.s32 $0x10, s22;
	v7 =	vld [tilespmem:s18+$0xFFFFFF80]  }
0x69: {  	v8 =	vld [tilespmem:s18+$0xFFFFFF90];
	_ =	sdelay $0x1  }
0x6a: {  	v9 =	vld [tilespmem:s18+$0xFFFFFFA0]  }
0x6b: {  	s23 =	sadd.s32 $0xFFFFFFF1, s19  }
0x6c: {  	v10 =	vmov s23;
	vm0 =	veq.s32 v7, $0x80000000;
	v11 =	vld [tilespmem:s18+$0xFFFFFFB0]  }
0x6d: {  	s23 =	sadd.s32 $0xFFFFFFF2, s19;
	v10 =	vsel vm0, $0x0, v10;
	vm0 =	vgt.s32 v8, v7  }
0x6e: {  	v7 =	vsel vm0, v8, v7;
	v8 =	vsel vm0, s23, v10;
	v10 =	vld [tilespmem:s18+$0xFFFFFFC0]  }
0x6f: {  	vm0 =	vgt.s32 v9, v7  }
0x70: {  	v7 =	vsel vm0, v9, v7;
	v9 =	vld [tilespmem:s18+$0xFFFFFFD0]  }
0x71: {  	vm1 =	vgt.s32 v11, v7  }
0x72: {  	v7 =	vsel vm1, v11, v7;
	v11 =	vld [tilespmem:s18+$0xFFFFFFE0]  }
0x73: {  	vm2 =	vgt.s32 v10, v7  }
0x74: {  	v7 =	vsel vm2, v10, v7;
	v10 =	vld [tilespmem:s18+$0xFFFFFFF0]  }
0x75: {  	vm3 =	vgt.s32 v9, v7  }
0x76: {  	v7 =	vsel vm3, v9, v7;
	v9 =	vld [tilespmem:s18+$0x0]  }
0x77: {  	vm4 =	vgt.s32 v11, v7  }
0x78: {  	v7 =	vsel vm4, v11, v7;
	v11 =	vld [tilespmem:s18+$0x10]  }
0x79: {  	vm5 =	vgt.s32 v10, v7  }
0x7a: {  	v7 =	vsel vm5, v10, v7;
	v10 =	vld [tilespmem:s18+$0x20]  }
0x7b: {  	vm6 =	vgt.s32 v9, v7  }
0x7c: {  	v7 =	vsel vm6, v9, v7;
	v9 =	vld [tilespmem:s18+$0x30]  }
0x7d: {  	s23 =	sadd.s32 $0xFFFFFFF3, s19;
	vm7 =	vgt.s32 v11, v7  }
0x7e: {  	v8 =	vsel vm0, s23, v8;
	s23 =	sadd.s32 $0xFFFFFFF4, s19;
	v7 =	vsel vm7, v11, v7;
	v11 =	vld [tilespmem:s18+$0x40]  }
0x7f: {  	v8 =	vsel vm1, s23, v8;
	s23 =	sadd.s32 $0xFFFFFFF5, s19;
	vm0 =	vgt.s32 v10, v7  }
0x80: {  	v8 =	vsel vm2, s23, v8;
	s23 =	sadd.s32 $0xFFFFFFF6, s19;
	v7 =	vsel vm0, v10, v7;
	v10 =	vld [tilespmem:s18+$0x50]  }
0x81: {  	v8 =	vsel vm3, s23, v8;
	s23 =	sadd.s32 $0xFFFFFFF7, s19;
	vm1 =	vgt.s32 v9, v7  }
0x82: {  	v8 =	vsel vm4, s23, v8;
	s23 =	sadd.s32 $0xFFFFFFF8, s19;
	v7 =	vsel vm1, v9, v7;
	v9 =	vld [tilespmem:s18+$0x60]  }
0x83: {  	v8 =	vsel vm5, s23, v8;
	s23 =	sadd.s32 $0xFFFFFFF9, s19;
	vm2 =	vgt.s32 v11, v7  }
0x84: {  	v8 =	vsel vm6, s23, v8;
	s23 =	sadd.s32 $0xFFFFFFFA, s19;
	v7 =	vsel vm2, v11, v7;
	v11 =	vld [tilespmem:s18+$0x70]  }
0x85: {  	v8 =	vsel vm7, s23, v8;
	s23 =	sadd.s32 $0xFFFFFFFB, s19;
	vm3 =	vgt.s32 v10, v7  }
0x86: {  	v8 =	vsel vm0, s23, v8;
	s23 =	sadd.s32 $0xFFFFFFFC, s19;
	v7 =	vsel vm3, v10, v7  }
.Ltmp1:
0x87: {  	v8 =	vsel vm1, s23, v8;
	s23 =	sadd.s32 $0xFFFFFFFD, s19;
	vm0 =	vgt.s32 v9, v7;
	(pc) =	sbr.rel @p1 .LBB2_3-.Ltmp1, $4  }
0x88: {  	v8 =	vsel vm2, s23, v8;
	s23 =	sadd.s32 $0xFFFFFFFE, s19;
	v7 =	vsel vm0, v9, v7  }
0x89: {  	v8 =	vsel vm3, s23, v8;
	s23 =	sadd.s32 $0xFFFFFFFF, s19;
	vm1 =	vgt.s32 v11, v7  }
0x8a: {  	v8 =	vsel vm0, s23, v8;
	v9 =	vsel vm1, v11, v7  }
0x8b: {  	v7 =	vsel vm1, s19, v8;
	s19 =	simm.s32 $0x0;
	[tilespmem:s20+$0x0] =	vst v9  }
0x8c: {  	[tilespmem:s21+$0x0] =	vst v7  }
.LBB2_5:
0x8d: {  	s20 =	simm.s32 $0x0  }
0x8e: {  	v8 =	vld [tilespmem:s20+$0x6600]  }
0x8f: {  	v10 =	vld [tilespmem:s20+$0x6780]  }
0x90: {  	v9 =	vimm.s32 $0x80000000;
	v7 =	vlaneseq.u32;
	s18 =	simm.s32 $0x40  }
.LBB2_6:
0x91: {  	p1 =	sne.s32 s18, $0x4C0  }
.Ltmp2:
0x92: {  	s20 =	smov.u32 s18;
	s18 =	sadd.s32 $0x40, s18;
	(pc) =	sbr.rel @p1 .LBB2_6-.Ltmp2, $4  }
0x93: {  	s20 =	sshra.s32 s20, $0x2;
	vm0 =	vgt.s32 v8, v9  }
0x94: {  	v11 =	vshll.u32 v10, $0x4;
	v9 =	vsel vm0, v8, v9;
	v8 =	vld [tilespmem:s20+$0x6600]  }
0x95: {  	v10 =	vld [tilespmem:s20+$0x6780];
	v11 =	vor.u32 v1, v11  }
0x96: {  	v7 =	vsel vm0, v11, v7  }
0x97: {  	_ =	sdelay $0x2  }
0x98: {  	vm0 =	vgt.s32 v8, v9;
	v10 =	vshll.u32 v10, $0x4  }
0x99: {  	v8 =	vsel vm0, v8, v9;
	v39 =	vor.u32 v1, v10  }
0x9a: {  	[tilespmem:$0x6900] =	vst v8;
	v7 =	vsel vm0, v39, v7  }
0x9b: {  	[tilespmem:$0x6980] =	vst v7  }
0x9c: {  	v40 =	vld.idx.msk [tilespmem:v2+s14+$0x0], $0xffff  }
0x9d: {  	v41 =	vld.idx.msk [tilespmem:v2+s15+$0x0], $0xffff;
	_ =	sdelay $0x4  }
0x9e: {  	vm15 =	veq.s32 v40, v8;
	vm1 =	vlt.s32 v41, v7  }
0x9f: {  	vm2 =	vgt.s32 v40, v8;
	vm0 =	vmand vm15, vm1  }
0xa0: {  	vm0 =	vmor vm2, vm0  }
0xa1: {  	v8 =	vsel vm0, v40, v8  }
0xa2: {  	v7 =	vsel vm0, v41, v7;
	[tilespmem:$0x6900] =	vst v8  }
0xa3: {  	[tilespmem:$0x6980] =	vst v7  }
0xa4: {  	v42 =	vld.idx.msk [tilespmem:v3+s14+$0x0], $0xffff  }
0xa5: {  	v43 =	vld.idx.msk [tilespmem:v3+s15+$0x0], $0xffff;
	_ =	sdelay $0x4  }
0xa6: {  	vm4 =	veq.s32 v42, v8;
	vm5 =	vlt.s32 v43, v7  }
0xa7: {  	vm6 =	vgt.s32 v42, v8;
	vm0 =	vmand vm4, vm5  }
0xa8: {  	vm0 =	vmor vm6, vm0  }
0xa9: {  	v8 =	vsel vm0, v42, v8  }
0xaa: {  	v7 =	vsel vm0, v43, v7;
	[tilespmem:$0x6900] =	vst v8  }
0xab: {  	[tilespmem:$0x6980] =	vst v7  }
0xac: {  	v44 =	vld.idx.msk [tilespmem:v4+s14+$0x0], $0xffff  }
0xad: {  	v45 =	vld.idx.msk [tilespmem:v4+s15+$0x0], $0xffff;
	_ =	sdelay $0x4  }
0xae: {  	vm7 =	veq.s32 v44, v8;
	vm8 =	vlt.s32 v45, v7  }
0xaf: {  	vm9 =	vgt.s32 v44, v8;
	vm0 =	vmand vm7, vm8  }
0xb0: {  	vm0 =	vmor vm9, vm0  }
0xb1: {  	v8 =	vsel vm0, v44, v8  }
0xb2: {  	v7 =	vsel vm0, v45, v7;
	[tilespmem:$0x6900] =	vst v8  }
0xb3: {  	[tilespmem:$0x6980] =	vst v7  }
0xb4: {  	v46 =	vld.idx.msk [tilespmem:v5+s14+$0x0], $0xffff  }
0xb5: {  	v47 =	vld.idx.msk [tilespmem:v5+s15+$0x0], $0xffff;
	_ =	sdelay $0x4  }
0xb6: {  	vm10 =	veq.s32 v46, v8;
	vm11 =	vlt.s32 v47, v7  }
0xb7: {  	vm12 =	vgt.s32 v46, v8;
	vm0 =	vmand vm10, vm11  }
0xb8: {  	vm0 =	vmor vm12, vm0  }
0xb9: {  	v7 =	vsel vm0, v47, v7  }
0xba: {  	(v2sf) =	vpush v7, $0x0;
	_ =	sdelay $0xe  }
0xbb: {  	s18 =	spop (v2sf)  }
0xbc: {  	s20 =	sand.u32 $0xFF, s18  }
0xbd: {  	s21 =	sshra.s32 s18, $0x1F;
	p1 =	slt.s32 s18, $0x1;
	p2 =	sne.s32 s20, $0x0  }
0xbe: {  	s25 =	sshrl.u32 s21, $0x18;
	p1 =	por !p1, !p2  }
0xbf: {  	s20 =	simm.s32 $0x1;
	s18 =	sadd.s32 s25, s18;
	p1 =	por !p1, !p1  }
0xc0: {  	s18 =	sshra.s32 s18, $0x8;
	s20 =	simm.s32 @!p1 $0x0  }
0xc1: {  	s18 =	ssub.s32 s18, s20  }
0xc2: {  	s20 =	sshll.u32 s18, $0xA  }
0xc3: {  	[tilespmem:v7+s1+$0x0] =	vst.idx.msk $0x1, v6;
	s20 =	sshra.s32 s20, $0x2  }
0xc4: {  	v8 =	vld [tilespmem:s20+$0x0]  }
0xc5: {  	v48 =	vld [tilespmem:s20+$0x10];
	_ =	sdelay $0x1  }
0xc6: {  	v49 =	vld [tilespmem:s20+$0x20];
	_ =	sdelay $0x1  }
0xc7: {  	v11 =	vld [tilespmem:s20+$0x30]  }
0xc8: {  	vm13 =	vgt.s32 v48, v8  }
0xc9: {  	v12 =	vld [tilespmem:s20+$0x40];
	v9 =	vsel vm13, v48, v8  }
0xca: {  	vm14 =	vgt.s32 v49, v9  }
0xcb: {  	v50 =	vld [tilespmem:s20+$0x50];
	v9 =	vsel vm14, v49, v9  }
0xcc: {  	vm15 =	vgt.s32 v11, v9  }
0xcd: {  	v51 =	vld [tilespmem:s20+$0x60];
	v9 =	vsel vm15, v11, v9  }
0xce: {  	vm3 =	vgt.s32 v12, v9  }
0xcf: {  	v52 =	vld [tilespmem:s20+$0x70];
	v9 =	vsel vm3, v12, v9  }
0xd0: {  	vm4 =	vgt.s32 v50, v9  }
0xd1: {  	v53 =	vld [tilespmem:s20+$0x80];
	v9 =	vsel vm4, v50, v9  }
0xd2: {  	vm5 =	vgt.s32 v51, v9  }
0xd3: {  	v54 =	vld [tilespmem:s20+$0x90];
	v9 =	vsel vm5, v51, v9  }
0xd4: {  	vm6 =	vgt.s32 v52, v9  }
0xd5: {  	s21 =	sshll.u32 s18, $0x4;
	v55 =	vld [tilespmem:s20+$0xA0];
	v9 =	vsel vm6, v52, v9  }
0xd6: {  	vm7 =	veq.s32 v8, $0x80000000;
	v8 =	vmov s21;
	vm8 =	vgt.s32 v53, v9  }
0xd7: {  	s22 =	sor.u32 $0x1, s21;
	v56 =	vld [tilespmem:s20+$0xB0];
	v8 =	vsel vm7, $0x0, v8;
	v9 =	vsel vm8, v53, v9  }
0xd8: {  	s26 =	sor.u32 $0x2, s21;
	v8 =	vsel vm13, s22, v8;
	vm9 =	vgt.s32 v54, v9  }
0xd9: {  	s28 =	sor.u32 $0x3, s21;
	v57 =	vld [tilespmem:s20+$0xC0];
	v8 =	vsel vm14, s26, v8;
	v9 =	vsel vm9, v54, v9  }
0xda: {  	s29 =	sor.u32 $0x4, s21;
	v8 =	vsel vm15, s28, v8;
	vm10 =	vgt.s32 v55, v9  }
0xdb: {  	s30 =	sor.u32 $0x5, s21;
	v58 =	vld [tilespmem:s20+$0xD0];
	v8 =	vsel vm3, s29, v8;
	v9 =	vsel vm10, v55, v9  }
0xdc: {  	s31 =	sor.u32 $0x6, s21;
	v8 =	vsel vm4, s30, v8;
	vm11 =	vgt.s32 v56, v9  }
0xdd: {  	s23 =	sor.u32 $0x7, s21;
	v59 =	vld [tilespmem:s20+$0xE0];
	v8 =	vsel vm5, s31, v8;
	v9 =	vsel vm11, v56, v9  }
0xde: {  	s24 =	sor.u32 $0x8, s21;
	v8 =	vsel vm6, s23, v8;
	vm12 =	vgt.s32 v57, v9  }
0xdf: {  	s25 =	sor.u32 $0x9, s21;
	v60 =	vld [tilespmem:s20+$0xF0];
	v8 =	vsel vm8, s24, v8;
	v9 =	vsel vm12, v57, v9  }
0xe0: {  	s26 =	sor.u32 $0xA, s21;
	v8 =	vsel vm9, s25, v8;
	vm13 =	vgt.s32 v58, v9  }
0xe1: {  	s28 =	sor.u32 $0xB, s21;
	v8 =	vsel vm10, s26, v8;
	v9 =	vsel vm13, v58, v9  }
0xe2: {  	s29 =	sor.u32 $0xC, s21;
	v8 =	vsel vm11, s28, v8;
	vm14 =	vgt.s32 v59, v9  }
0xe3: {  	s30 =	sor.u32 $0xD, s21;
	v8 =	vsel vm12, s29, v8;
	v9 =	vsel vm14, v59, v9  }
0xe4: {  	s31 =	sor.u32 $0xE, s21;
	v8 =	vsel vm13, s30, v8;
	vm15 =	vgt.s32 v60, v9  }
0xe5: {  	s18 =	sshllo.u32 s18, $0x4;
	v8 =	vsel vm14, s31, v8;
	v9 =	vsel vm15, v60, v9  }
0xe6: {  	v8 =	vsel vm15, s18, v8;
	[tilespmem:s21+$0x6600] =	vst v9  }
0xe7: {  	[tilespmem:s21+$0x6780] =	vst v8  }
0xe8: {  	v8 =	vmov s19;
	v9 =	vld.idx.msk [tilespmem:v7+s10+$0x0], $0xffff;
	_ =	sdelay $0x4  }
0xe9: {  	[tilespmem:v8+s16+$0x0] =	vst.idx.msk $0x1, v9  }
0xea: {  	v61 =	vadd.s32 $0x70, v8;
	v62 =	vld.idx.msk [tilespmem:v7+s11+$0x0], $0xffff;
	_ =	sdelay $0x4  }
0xeb: {  	[tilespmem:v61+s16+$0x0] =	vst.idx.msk $0x1, v62  }
0xec: {  	v63 =	vadd.s32 $0xE0, v8;
	v10 =	vld.idx.msk [tilespmem:v7+s12+$0x0], $0xffff;
	_ =	sdelay $0x4  }
0xed: {  	s19 =	sadd.s32 $0x1, s19;
	[tilespmem:v63+s16+$0x0] =	vst.idx.msk $0x1, v10  }
0xee: {  	p1 =	sne.s32 s19, $0x64;
	v8 =	vadd.s32 $0x150, v8;
	v7 =	vld.idx.msk [tilespmem:v7+s13+$0x0], $0xffff  }
.Ltmp3:
0xef: {  	_ = 	snop;
	(pc) =	sbr.rel @p1 .LBB2_5-.Ltmp3, $2  }
0xf0: {  	_ =	sdelay $0x2  }
0xf1: {  	[tilespmem:v8+s16+$0x0] =	vst.idx.msk $0x1, v7  }
0xf2: {  	s17 =	sadd.s32 $0x1, s17  }
0xf3: {  	p1 =	sne.s32 s17, s8  }
.Ltmp4:
0xf4: {  	_ = 	snop;
	(pc) =	sbr.rel @p1 .LBB2_2-.Ltmp4, $4  }
0xf5: {  	[hbm4b:s6+s1] =	stream.linear.scatter [tilespmem:s16], [sflag:$0x1], $0x1C0, $0x38;
	[tilespmem:$0x6A00] =	vst v63  }
0xf6: {  	_ =	swait.ge [sflag:s9], $0x1C0  }
0xf7: {  	[sflag:s9] =	ssyncset.done $0x0  }
0xf8: {  	[sflag:s9] =	ssyncadd.s32 $0xFFFFFE40  }
.LBB2_9:
0xf9: {  	_ =	sfence.sel $0x180000  }
0xfa: {  	[bflag:$0x0] =	sbarrier.arrive $0xFFFF  }
0xfb: {  	_ =	strace $0x90000047  }
0xfc: {  	s0 =	sadd.s32 @!p0 $0x100000, s0;
	[bflag:$0x2] =	sbarrier.arrive $0xFFFF  }
0xfd: {  	[sflag:s0] =	ssyncadd.tile.s32 @!p0 $0x1;
	_ =	shalt  }
.Lfunc_end2:
_tile_overlayer_lowered:
.L_overlay_start_2:
0xfe: {  	(tag) =	ssettag $0x2  }
0xff: {  	s0 =	rddreg [dreg:$0x0];
	s2 =	stileid.u32  }
0x100: {  	s1 =	rddreg [dreg:$0x1];
	p0 =	sne.s32 s2, $0x0  }
0x101: {  	s3 =	rddreg [dreg:$0x2];
	[bflag:$0x3] =	sbarrier.arrive $0xFFFF;
	s2 =	simm.s32 @!p0 $0x1C01  }
0x102: {  	[timem:s3], [sflag:s2] =	dma.local @!p0 [hbm:s0], s1  }
0x103: {  	s0 =	simm.s32 @!p0 $0x1  }
0x104: {  	_ =	swait.ge @!p0 [sflag:s0], s1  }
0x105: {  	s1 =	ssub.s32 @!p0 $0x0, s1;
	[sflag:s0] =	ssyncset.done @!p0 $0x0  }
0x106: {  	[sflag:s0] =	ssyncadd.s32 @!p0 s1  }
0x107: {  	[bflag:$0x3] =	sbarrier.arrive $0xFFFF  }
0x108: {  	_ =	shalt  }

</sc_bundles>
